<compile_context>
chip_gen: v7x
topology: tpu7x:2x2x1
jax: 0.10.2.dev20260603
libtpu: 0.0.44.dev20260713+nightly
codegen_flags: <defaults>
</compile_context>

<pallas_src>
import functools

import jax
import jax.numpy as jnp
from jax import lax
from jax.experimental import pallas as pl
from jax.experimental.pallas import tpu as pltpu
from jax.experimental.pallas import tpu_sc as plsc

_PATCH = 7
_DILATION = 2
_NC, _NS = 2, 16
_NW = _NC * _NS

_half = (_PATCH - 1) // 2


def _rows_tc_kernel(w_ref, idx_ref, out_ref, *, h_feat, w_feat):
    w = w_ref[0, 0]
    idx_f = idx_ref[...].astype(jnp.float32)
    y_pix = jnp.floor(idx_f / w)
    x_pix = idx_f - y_pix * w
    y_feat = jnp.clip(y_pix / 14.0, 0.0, float(h_feat - 1))
    x_feat = jnp.clip(x_pix / 14.0, 0.0, float(w_feat - 1))
    P = _PATCH * _PATCH
    p = lax.broadcasted_iota(jnp.int32, (1, 1, P), 2)
    oy = ((p // _PATCH) - _half).astype(jnp.float32) * _DILATION
    ox = ((p % _PATCH) - _half).astype(jnp.float32) * _DILATION
    y_c = jnp.clip(y_feat[:, :, None] + oy, 0.0, float(h_feat - 1))
    x_c = jnp.clip(x_feat[:, :, None] + ox, 0.0, float(w_feat - 1))
    y_i = jnp.round(y_c).astype(jnp.int32)
    x_i = jnp.round(x_c).astype(jnp.int32)
    b = lax.broadcasted_iota(jnp.int32, y_i.shape, 0)
    out_ref[...] = b * (h_feat * w_feat) + y_i * w_feat + x_i


def _compute_rows(sampling_idx, widths, h_feat, w_feat):
    B, R = sampling_idx.shape
    P = _PATCH * _PATCH
    wf = jnp.asarray(widths, jnp.float32).reshape(1, 1)
    rows = pl.pallas_call(
        functools.partial(_rows_tc_kernel, h_feat=h_feat, w_feat=w_feat),
        out_shape=jax.ShapeDtypeStruct((B, R, P), jnp.int32),
        in_specs=[
            pl.BlockSpec(memory_space=pltpu.SMEM),
            pl.BlockSpec(memory_space=pltpu.VMEM),
        ],
        out_specs=pl.BlockSpec(memory_space=pltpu.VMEM),
    )(wf, sampling_idx)
    return rows.reshape(B * R * P)


def _sc_gather(table, rows, B, R, P):
    D = table.shape[1]
    rays = B * R
    NR = rays // _NW
    wpb = _NW // B

    idx_all = rows.reshape(B, wpb, NR, P).transpose(0, 1, 3, 2).reshape(
        _NW, P, NR)

    mesh = plsc.VectorSubcoreMesh(
        core_axis_name="c", subcore_axis_name="s",
        num_cores=_NC, num_subcores=_NS)

    @functools.partial(
        pl.kernel,
        out_type=jax.ShapeDtypeStruct((B, R, P * D), jnp.float32),
        mesh=mesh,
        scratch_types=[
            pltpu.VMEM((P, NR), jnp.int32),
            [pltpu.VMEM((NR, D), jnp.float32) for _ in range(4)],
            [pltpu.SemaphoreType.DMA for _ in range(4)],
            [pltpu.SemaphoreType.DMA for _ in range(4)],
        ],
    )
    def k(table_hbm, rows_hbm, out_hbm, idx_v, bufs, gsems, wsems):
        wid = lax.axis_index("s") * _NC + lax.axis_index("c")
        bi = wid // wpb
        ray0 = (wid % wpb) * NR

        pltpu.sync_copy(rows_hbm.at[wid], idx_v)

        def start_gather(p, b):
            pltpu.async_copy(table_hbm.at[idx_v.at[p]], bufs[b], gsems[b])

        def wait_gather(b):
            pltpu.make_async_copy(
                table_hbm.at[pl.ds(0, NR)], bufs[b], gsems[b]).wait()

        def start_write(p, b):
            pltpu.async_copy(
                bufs[b],
                out_hbm.at[bi, pl.ds(ray0, NR), pl.ds(p * D, D)],
                wsems[b])

        def wait_write(b):
            pltpu.make_async_copy(
                bufs[b],
                out_hbm.at[bi, pl.ds(ray0, NR), pl.ds(0, D)],
                wsems[b]).wait()

        start_gather(0, 0)
        start_gather(1, 1)

        def body(j, carry):
            for b in range(4):
                p = j * 4 + b
                b2 = (b + 2) % 4
                if b < 2:
                    @pl.when(j > 0)
                    def _():
                        wait_write(b2)

                    start_gather(p + 2, b2)
                else:
                    wait_write(b2)

                    if b == 2:
                        start_gather(p + 2, b2)
                    else:
                        @pl.when(j < (P // 4) - 1)
                        def _():
                            start_gather(p + 2, b2)

                wait_gather(b)
                start_write(p, b)
            return carry

        lax.fori_loop(0, P // 4, body, 0)
        wait_write(2)
        wait_gather(0)
        start_write(P - 1, 0)
        wait_write(3)
        wait_write(0)

    return k(table, idx_all)


def kernel(feature_maps, sampling_idx, heights, widths):
    B, C, H_feat, W_feat = feature_maps.shape
    R = sampling_idx.shape[1]
    P = _PATCH * _PATCH
    table = feature_maps.transpose(0, 2, 3, 1).reshape(B * H_feat * W_feat, C)
    rows = _compute_rows(sampling_idx, widths, H_feat, W_feat)
    return _sc_gather(table, rows, B, R, P)

# --- scband reference (transcript-rebuilt; emitter-appended) ---
"""Pipeline reference for scband-dilated-patch-sampler-34419867910581 (READ-ONLY COPY).

The authoritative reference and input builder live on the scoring server;
editing this copy changes nothing except your own understanding.
"""

import jax, jax.numpy as jnp
import numpy as np

PATCH_SIZE = 7
DILATION = 2

def setup_inputs(seed: int = 0) -> dict:
    key = jax.random.key(seed)
    k1, k2 = jax.random.split(key)
    feature_maps = jax.random.normal(k1, (2, 384, 37, 37), dtype=jnp.float32)
    sampling_idx = jax.random.randint(k2, (2, 1024), 0, 268324, dtype=jnp.int64 if jax.config.jax_enable_x64 else jnp.int32).astype(jnp.int32)
    return {"feature_maps": feature_maps, "sampling_idx": sampling_idx, "heights": 518, "widths": 518}

def reference(feature_maps, sampling_idx, heights, widths):
    B, C, H_feat, W_feat = feature_maps.shape
    R = sampling_idx.shape[1]
    w = jnp.asarray(widths, dtype=jnp.float32)
    idx_f = sampling_idx.astype(jnp.float32)
    y_pix = jnp.floor(idx_f / w)
    x_pix = jnp.fmod(idx_f, w)
    y_feat = jnp.clip(y_pix / 14.0, 0.0, H_feat - 1)
    x_feat = jnp.clip(x_pix / 14.0, 0.0, W_feat - 1)
    half = (PATCH_SIZE - 1) // 2
    off = jnp.arange(-half, half + 1, dtype=jnp.float32)
    ox, oy = jnp.meshgrid(off, off, indexing='xy')
    ox = (ox * DILATION).flatten()
    oy = (oy * DILATION).flatten()
    num_patches = PATCH_SIZE * PATCH_SIZE
    y_coords = jnp.clip(y_feat[:, :, None] + oy[None, None, :], 0.0, H_feat - 1)
    x_coords = jnp.clip(x_feat[:, :, None] + ox[None, None, :], 0.0, W_feat - 1)
    y_i = jnp.round(y_coords).astype(jnp.int32)
    x_i = jnp.round(x_coords).astype(jnp.int32)
    def gather_b(feat_b, yb, xb):
        s = feat_b[:, yb, xb]  # (C, R, P)
        return jnp.transpose(s, (1, 2, 0))  # (R, P, C)
    patches = jax.vmap(gather_b)(feature_maps, y_i, x_i)  # (B, R, P, C)
    return patches.reshape(B, R, num_patches * C)

if __name__ == "__main__":
    import jax
    _d = setup_inputs()
    print(jax.jit(kernel)(*tuple(_d.values())))

</pallas_src>

<mosaic_0001>
#map = affine_map<(d0, d1) -> (0, 0)>
#map1 = affine_map<(d0, d1) -> (0, 0, 0)>
module attributes {stable_mosaic.version = 14 : i64} {
  func.func @k(%arg0: i32, %arg1: i32, %arg2: memref<2738x384xf32, #tpu.memory_space<hbm>>, %arg3: memref<32x49x64xi32, #tpu.memory_space<hbm>>, %arg4: memref<2x1024x18816xf32, #tpu.memory_space<hbm>>, %arg5: memref<49x64xi32, #tpu.memory_space<vmem>>, %arg6: memref<64x384xf32, #tpu.memory_space<vmem>>, %arg7: memref<64x384xf32, #tpu.memory_space<vmem>>, %arg8: memref<64x384xf32, #tpu.memory_space<vmem>>, %arg9: memref<64x384xf32, #tpu.memory_space<vmem>>, %arg10: memref<!tpu.dma_semaphore, #tpu.memory_space<semaphore_mem>>, %arg11: memref<!tpu.dma_semaphore, #tpu.memory_space<semaphore_mem>>, %arg12: memref<!tpu.dma_semaphore, #tpu.memory_space<semaphore_mem>>, %arg13: memref<!tpu.dma_semaphore, #tpu.memory_space<semaphore_mem>>, %arg14: memref<!tpu.dma_semaphore, #tpu.memory_space<semaphore_mem>>, %arg15: memref<!tpu.dma_semaphore, #tpu.memory_space<semaphore_mem>>, %arg16: memref<!tpu.dma_semaphore, #tpu.memory_space<semaphore_mem>>, %arg17: memref<!tpu.dma_semaphore, #tpu.memory_space<semaphore_mem>>) attributes {dimension_semantics = [#tpu.dimension_semantics<core_parallel>, #tpu.dimension_semantics<subcore_parallel>], iteration_bounds = array<i64: 2, 16>, scalar_prefetch = 0 : i64, scratch_operands = 13 : i64, tpu.core_type = #tpu.core_type<sc_vector_subcore>, window_params = [{transform_indices = #map}, {transform_indices = #map1}, {transform_indices = #map1}]} {
    %mul3A = arith.constant 2 : i32
    %mul3A_0 = arith.muli %arg1, %mul3A : i32
    %add3A = arith.addi %mul3A_0, %arg0 : i32
    %jit3A = arith.constant 16 : i32
    %div3A = arith.divsi %add3A, %jit3A : i32
    %sign3A = arith.constant 0 : i32
    %sign3A_1 = arith.cmpi sgt, %add3A, %sign3A : i32
    %sign3A_2 = arith.extui %sign3A_1 : i1 to i32
    %sign3A_3 = arith.constant 0 : i32
    %sign3A_4 = arith.cmpi slt, %add3A, %sign3A_3 : i32
    %sign3A_5 = arith.extui %sign3A_4 : i1 to i32
    %sign3A_6 = arith.subi %sign3A_2, %sign3A_5 : i32
    %sign3A_7 = arith.constant 0 : i32
    %sign3A_8 = arith.cmpi sgt, %jit3A, %sign3A_7 : i32
    %sign3A_9 = arith.extui %sign3A_8 : i1 to i32
    %sign3A_10 = arith.constant 0 : i32
    %sign3A_11 = arith.cmpi slt, %jit3A, %sign3A_10 : i32
    %sign3A_12 = arith.extui %sign3A_11 : i1 to i32
    %sign3A_13 = arith.subi %sign3A_9, %sign3A_12 : i32
    %ne3A = arith.cmpi ne, %sign3A_6, %sign3A_13 : i32
    %rem3A = arith.remsi %add3A, %jit3A : i32
    %ne3A_14 = arith.constant 0 : i32
    %ne3A_15 = arith.cmpi ne, %rem3A, %ne3A_14 : i32
    %and3A = arith.andi %ne3A, %ne3A_15 : i1
    %sub3A = arith.constant 1 : i32
    %sub3A_16 = arith.subi %div3A, %sub3A : i32
    %select_n3A = arith.select %and3A, %sub3A_16, %div3A : i32
    %jit3A_17 = arith.constant 16 : i32
    %eq3A = arith.constant 0 : i32
    %eq3A_18 = arith.cmpi eq, %jit3A_17, %eq3A : i32
    %jit3A_19 = arith.constant 1 : i32
    %select_n3A_20 = arith.select %eq3A_18, %jit3A_19, %jit3A_17 : i32
    %rem3A_21 = arith.remsi %add3A, %select_n3A_20 : i32
    %ne3A_22 = arith.constant 0 : i32
    %ne3A_23 = arith.cmpi ne, %rem3A_21, %ne3A_22 : i32
    %lt3A = arith.constant 0 : i32
    %lt3A_24 = arith.cmpi slt, %rem3A_21, %lt3A : i32
    %lt3A_25 = arith.constant 0 : i32
    %lt3A_26 = arith.cmpi slt, %select_n3A_20, %lt3A_25 : i32
    %ne3A_27 = arith.xori %lt3A_24, %lt3A_26 : i1
    %and3A_28 = arith.andi %ne3A_27, %ne3A_23 : i1
    %add3A_29 = arith.addi %rem3A_21, %select_n3A_20 : i32
    %select_n3A_30 = arith.select %and3A_28, %add3A_29, %rem3A_21 : i32
    %mul3A_31 = arith.constant 64 : i32
    %mul3A_32 = arith.muli %select_n3A_30, %mul3A_31 : i32
    "tpu.region"() ({
      %run_scoped3A = tpu.sem_alloc : memref<!tpu.dma_semaphore, #tpu.memory_space<semaphore_mem>>
      %dma_start3A_80 = arith.constant 0 : i32
      %dma_start3A_81 = arith.constant 0 : i32
      %dma_start3A_82 = tpu.memref_slice %arg3[%add3A, %dma_start3A_80, %dma_start3A_81] : memref<32x49x64xi32, #tpu.memory_space<hbm>> -> memref<1x49x64xi32, #tpu.memory_space<hbm>>
      %dma_start3A_83 = tpu.memref_squeeze %dma_start3A_82 : memref<1x49x64xi32, #tpu.memory_space<hbm>> -> memref<49x64xi32, #tpu.memory_space<hbm>>
      %dma_start3A_84 = arith.constant 0 : i32
      %dma_start3A_85 = arith.constant 0 : i32
      %dma_start3A_86 = tpu.memref_slice %arg3[%add3A, %dma_start3A_84, %dma_start3A_85] : memref<32x49x64xi32, #tpu.memory_space<hbm>> -> memref<1x49x64xi32, #tpu.memory_space<hbm>>
      %dma_start3A_87 = tpu.memref_squeeze %dma_start3A_86 : memref<1x49x64xi32, #tpu.memory_space<hbm>> -> memref<49x64xi32, #tpu.memory_space<hbm>>
      tpu.enqueue_dma source(%dma_start3A_87 : memref<49x64xi32, #tpu.memory_space<hbm>>) target(%arg5 : memref<49x64xi32, #tpu.memory_space<vmem>>) target_semaphore(%run_scoped3A : memref<!tpu.dma_semaphore, #tpu.memory_space<semaphore_mem>>)
      %dma_wait3A_88 = arith.constant 0 : i32
      %dma_wait3A_89 = arith.constant 0 : i32
      %dma_wait3A_90 = tpu.memref_slice %arg3[%add3A, %dma_wait3A_88, %dma_wait3A_89] : memref<32x49x64xi32, #tpu.memory_space<hbm>> -> memref<1x49x64xi32, #tpu.memory_space<hbm>>
      %dma_wait3A_91 = tpu.memref_squeeze %dma_wait3A_90 : memref<1x49x64xi32, #tpu.memory_space<hbm>> -> memref<49x64xi32, #tpu.memory_space<hbm>>
      %dma_wait3A_92 = arith.constant 0 : i32
      %dma_wait3A_93 = arith.constant 0 : i32
      %dma_wait3A_94 = tpu.memref_slice %arg3[%add3A, %dma_wait3A_92, %dma_wait3A_93] : memref<32x49x64xi32, #tpu.memory_space<hbm>> -> memref<1x49x64xi32, #tpu.memory_space<hbm>>
      %dma_wait3A_95 = tpu.memref_squeeze %dma_wait3A_94 : memref<1x49x64xi32, #tpu.memory_space<hbm>> -> memref<49x64xi32, #tpu.memory_space<hbm>>
      tpu.wait_dma2 semaphore(%run_scoped3A : memref<!tpu.dma_semaphore, #tpu.memory_space<semaphore_mem>>) src(%dma_wait3A_95 : memref<49x64xi32, #tpu.memory_space<hbm>>) dst(%arg5 : memref<49x64xi32, #tpu.memory_space<vmem>>)
      tpu.yield
    }) : () -> ()
    %dma_start3A = arith.constant 0 : i32
    %dma_start3A_33 = arith.constant 0 : i32
    %dma_start3A_34 = tpu.memref_slice %arg5[%dma_start3A, %dma_start3A_33] : memref<49x64xi32, #tpu.memory_space<vmem>> -> memref<1x64xi32, #tpu.memory_space<vmem>>
    %dma_start3A_35 = tpu.memref_squeeze %dma_start3A_34 : memref<1x64xi32, #tpu.memory_space<vmem>> -> memref<64xi32, #tpu.memory_space<vmem>>
    %dma_start3A_36 = arith.constant 0 : i32
    %dma_start3A_37 = arith.constant 0 : i32
    %dma_start3A_38 = tpu.memref_slice %arg2[%dma_start3A_36, %dma_start3A_37] : memref<2738x384xf32, #tpu.memory_space<hbm>> -> memref<2738x384xf32, #tpu.memory_space<hbm>>
    tpu.enqueue_indirect_dma source(%dma_start3A_38 : memref<2738x384xf32, #tpu.memory_space<hbm>>) target(%arg6 : memref<64x384xf32, #tpu.memory_space<vmem>>) offsets(%dma_start3A_35 : memref<64xi32, #tpu.memory_space<vmem>>) semaphore(%arg10 : memref<!tpu.dma_semaphore, #tpu.memory_space<semaphore_mem>>)
    %dma_start3A_39 = arith.constant 1 : i32
    %dma_start3A_40 = arith.constant 0 : i32
    %dma_start3A_41 = tpu.memref_slice %arg5[%dma_start3A_39, %dma_start3A_40] : memref<49x64xi32, #tpu.memory_space<vmem>> -> memref<1x64xi32, #tpu.memory_space<vmem>>
    %dma_start3A_42 = tpu.memref_squeeze %dma_start3A_41 : memref<1x64xi32, #tpu.memory_space<vmem>> -> memref<64xi32, #tpu.memory_space<vmem>>
    %dma_start3A_43 = arith.constant 0 : i32
    %dma_start3A_44 = arith.constant 0 : i32
    %dma_start3A_45 = tpu.memref_slice %arg2[%dma_start3A_43, %dma_start3A_44] : memref<2738x384xf32, #tpu.memory_space<hbm>> -> memref<2738x384xf32, #tpu.memory_space<hbm>>
    tpu.enqueue_indirect_dma source(%dma_start3A_45 : memref<2738x384xf32, #tpu.memory_space<hbm>>) target(%arg7 : memref<64x384xf32, #tpu.memory_space<vmem>>) offsets(%dma_start3A_42 : memref<64xi32, #tpu.memory_space<vmem>>) semaphore(%arg11 : memref<!tpu.dma_semaphore, #tpu.memory_space<semaphore_mem>>)
    %scan3A = arith.constant 0 : i32
    %scan3A_46 = arith.constant 0 : i32
    %scan3A_47 = arith.constant 12 : i32
    %scan3A_48 = arith.addi %scan3A_46, %scan3A_47 : i32
    %scan3A_49 = arith.constant 1 : i32
    scf.for %scan3A_80 = %scan3A_46 to %scan3A_48 step %scan3A_49  : i32 {
      %mul3A_81 = arith.constant 4 : i32
      %mul3A_82 = arith.muli %scan3A_80, %mul3A_81 : i32
      %add3A_83 = arith.constant 0 : i32
      %add3A_84 = arith.addi %mul3A_82, %add3A_83 : i32
      %gt3A = arith.constant 0 : i32
      %gt3A_85 = arith.cmpi sgt, %scan3A_80, %gt3A : i32
      %convert_element_type3A = arith.extui %gt3A_85 : i1 to i32
      %cond3A = arith.constant 0 : i32
      %cond3A_86 = arith.cmpi ne, %convert_element_type3A, %cond3A : i32
      scf.if %cond3A_86 {
        %dma_wait3A_193 = arith.constant 0 : i32
        %dma_wait3A_194 = tpu.memref_slice %arg4[%select_n3A, %mul3A_32, %dma_wait3A_193] : memref<2x1024x18816xf32, #tpu.memory_space<hbm>> -> memref<1x64x384xf32, #tpu.memory_space<hbm>>
        %dma_wait3A_195 = tpu.memref_squeeze %dma_wait3A_194 : memref<1x64x384xf32, #tpu.memory_space<hbm>> -> memref<64x384xf32, #tpu.memory_space<hbm>>
        %dma_wait3A_196 = arith.constant 0 : i32
        %dma_wait3A_197 = tpu.memref_slice %arg4[%select_n3A, %mul3A_32, %dma_wait3A_196] : memref<2x1024x18816xf32, #tpu.memory_space<hbm>> -> memref<1x64x384xf32, #tpu.memory_space<hbm>>
        %dma_wait3A_198 = tpu.memref_squeeze %dma_wait3A_197 : memref<1x64x384xf32, #tpu.memory_space<hbm>> -> memref<64x384xf32, #tpu.memory_space<hbm>>
        tpu.wait_dma2 semaphore(%arg16 : memref<!tpu.dma_semaphore, #tpu.memory_space<semaphore_mem>>) src(%arg8 : memref<64x384xf32, #tpu.memory_space<vmem>>) dst(%dma_wait3A_198 : memref<64x384xf32, #tpu.memory_space<hbm>>)
      } else {
      }
      %add3A_87 = arith.constant 2 : i32
      %add3A_88 = arith.addi %add3A_84, %add3A_87 : i32
      %dma_start3A_89 = arith.constant 0 : i32
      %dma_start3A_90 = tpu.memref_slice %arg5[%add3A_88, %dma_start3A_89] : memref<49x64xi32, #tpu.memory_space<vmem>> -> memref<1x64xi32, #tpu.memory_space<vmem>>
      %dma_start3A_91 = tpu.memref_squeeze %dma_start3A_90 : memref<1x64xi32, #tpu.memory_space<vmem>> -> memref<64xi32, #tpu.memory_space<vmem>>
      %dma_start3A_92 = arith.constant 0 : i32
      %dma_start3A_93 = arith.constant 0 : i32
      %dma_start3A_94 = tpu.memref_slice %arg2[%dma_start3A_92, %dma_start3A_93] : memref<2738x384xf32, #tpu.memory_space<hbm>> -> memref<2738x384xf32, #tpu.memory_space<hbm>>
      tpu.enqueue_indirect_dma source(%dma_start3A_94 : memref<2738x384xf32, #tpu.memory_space<hbm>>) target(%arg8 : memref<64x384xf32, #tpu.memory_space<vmem>>) offsets(%dma_start3A_91 : memref<64xi32, #tpu.memory_space<vmem>>) semaphore(%arg12 : memref<!tpu.dma_semaphore, #tpu.memory_space<semaphore_mem>>)
      %dma_wait3A_95 = arith.constant 0 : i32
      %dma_wait3A_96 = arith.constant 0 : i32
      %dma_wait3A_97 = tpu.memref_slice %arg2[%dma_wait3A_95, %dma_wait3A_96] : memref<2738x384xf32, #tpu.memory_space<hbm>> -> memref<64x384xf32, #tpu.memory_space<hbm>>
      %dma_wait3A_98 = arith.constant 0 : i32
      %dma_wait3A_99 = arith.constant 0 : i32
      %dma_wait3A_100 = tpu.memref_slice %arg2[%dma_wait3A_98, %dma_wait3A_99] : memref<2738x384xf32, #tpu.memory_space<hbm>> -> memref<64x384xf32, #tpu.memory_space<hbm>>
      tpu.wait_dma2 semaphore(%arg10 : memref<!tpu.dma_semaphore, #tpu.memory_space<semaphore_mem>>) src(%dma_wait3A_100 : memref<64x384xf32, #tpu.memory_space<hbm>>) dst(%arg6 : memref<64x384xf32, #tpu.memory_space<vmem>>)
      %mul3A_101 = arith.constant 384 : i32
      %mul3A_102 = arith.muli %add3A_84, %mul3A_101 : i32
      %dma_start3A_103 = tpu.memref_slice %arg4[%select_n3A, %mul3A_32, %mul3A_102] : memref<2x1024x18816xf32, #tpu.memory_space<hbm>> -> memref<1x64x384xf32, #tpu.memory_space<hbm>>
      %dma_start3A_104 = tpu.memref_squeeze %dma_start3A_103 : memref<1x64x384xf32, #tpu.memory_space<hbm>> -> memref<64x384xf32, #tpu.memory_space<hbm>>
      %dma_start3A_105 = tpu.memref_slice %arg4[%select_n3A, %mul3A_32, %mul3A_102] : memref<2x1024x18816xf32, #tpu.memory_space<hbm>> -> memref<1x64x384xf32, #tpu.memory_space<hbm>>
      %dma_start3A_106 = tpu.memref_squeeze %dma_start3A_105 : memref<1x64x384xf32, #tpu.memory_space<hbm>> -> memref<64x384xf32, #tpu.memory_space<hbm>>
      tpu.enqueue_dma source(%arg6 : memref<64x384xf32, #tpu.memory_space<vmem>>) target(%dma_start3A_106 : memref<64x384xf32, #tpu.memory_space<hbm>>) target_semaphore(%arg14 : memref<!tpu.dma_semaphore, #tpu.memory_space<semaphore_mem>>)
      %mul3A_107 = arith.constant 4 : i32
      %mul3A_108 = arith.muli %scan3A_80, %mul3A_107 : i32
      %add3A_109 = arith.constant 1 : i32
      %add3A_110 = arith.addi %mul3A_108, %add3A_109 : i32
      %gt3A_111 = arith.constant 0 : i32
      %gt3A_112 = arith.cmpi sgt, %scan3A_80, %gt3A_111 : i32
      %convert_element_type3A_113 = arith.extui %gt3A_112 : i1 to i32
      %cond3A_114 = arith.constant 0 : i32
      %cond3A_115 = arith.cmpi ne, %convert_element_type3A_113, %cond3A_114 : i32
      scf.if %cond3A_115 {
        %dma_wait3A_193 = arith.constant 0 : i32
        %dma_wait3A_194 = tpu.memref_slice %arg4[%select_n3A, %mul3A_32, %dma_wait3A_193] : memref<2x1024x18816xf32, #tpu.memory_space<hbm>> -> memref<1x64x384xf32, #tpu.memory_space<hbm>>
        %dma_wait3A_195 = tpu.memref_squeeze %dma_wait3A_194 : memref<1x64x384xf32, #tpu.memory_space<hbm>> -> memref<64x384xf32, #tpu.memory_space<hbm>>
        %dma_wait3A_196 = arith.constant 0 : i32
        %dma_wait3A_197 = tpu.memref_slice %arg4[%select_n3A, %mul3A_32, %dma_wait3A_196] : memref<2x1024x18816xf32, #tpu.memory_space<hbm>> -> memref<1x64x384xf32, #tpu.memory_space<hbm>>
        %dma_wait3A_198 = tpu.memref_squeeze %dma_wait3A_197 : memref<1x64x384xf32, #tpu.memory_space<hbm>> -> memref<64x384xf32, #tpu.memory_space<hbm>>
        tpu.wait_dma2 semaphore(%arg17 : memref<!tpu.dma_semaphore, #tpu.memory_space<semaphore_mem>>) src(%arg9 : memref<64x384xf32, #tpu.memory_space<vmem>>) dst(%dma_wait3A_198 : memref<64x384xf32, #tpu.memory_space<hbm>>)
      } else {
      }
      %add3A_116 = arith.constant 2 : i32
      %add3A_117 = arith.addi %add3A_110, %add3A_116 : i32
      %dma_start3A_118 = arith.constant 0 : i32
      %dma_start3A_119 = tpu.memref_slice %arg5[%add3A_117, %dma_start3A_118] : memref<49x64xi32, #tpu.memory_space<vmem>> -> memref<1x64xi32, #tpu.memory_space<vmem>>
      %dma_start3A_120 = tpu.memref_squeeze %dma_start3A_119 : memref<1x64xi32, #tpu.memory_space<vmem>> -> memref<64xi32, #tpu.memory_space<vmem>>
      %dma_start3A_121 = arith.constant 0 : i32
      %dma_start3A_122 = arith.constant 0 : i32
      %dma_start3A_123 = tpu.memref_slice %arg2[%dma_start3A_121, %dma_start3A_122] : memref<2738x384xf32, #tpu.memory_space<hbm>> -> memref<2738x384xf32, #tpu.memory_space<hbm>>
      tpu.enqueue_indirect_dma source(%dma_start3A_123 : memref<2738x384xf32, #tpu.memory_space<hbm>>) target(%arg9 : memref<64x384xf32, #tpu.memory_space<vmem>>) offsets(%dma_start3A_120 : memref<64xi32, #tpu.memory_space<vmem>>) semaphore(%arg13 : memref<!tpu.dma_semaphore, #tpu.memory_space<semaphore_mem>>)
      %dma_wait3A_124 = arith.constant 0 : i32
      %dma_wait3A_125 = arith.constant 0 : i32
      %dma_wait3A_126 = tpu.memref_slice %arg2[%dma_wait3A_124, %dma_wait3A_125] : memref<2738x384xf32, #tpu.memory_space<hbm>> -> memref<64x384xf32, #tpu.memory_space<hbm>>
      %dma_wait3A_127 = arith.constant 0 : i32
      %dma_wait3A_128 = arith.constant 0 : i32
      %dma_wait3A_129 = tpu.memref_slice %arg2[%dma_wait3A_127, %dma_wait3A_128] : memref<2738x384xf32, #tpu.memory_space<hbm>> -> memref<64x384xf32, #tpu.memory_space<hbm>>
      tpu.wait_dma2 semaphore(%arg11 : memref<!tpu.dma_semaphore, #tpu.memory_space<semaphore_mem>>) src(%dma_wait3A_129 : memref<64x384xf32, #tpu.memory_space<hbm>>) dst(%arg7 : memref<64x384xf32, #tpu.memory_space<vmem>>)
      %mul3A_130 = arith.constant 384 : i32
      %mul3A_131 = arith.muli %add3A_110, %mul3A_130 : i32
      %dma_start3A_132 = tpu.memref_slice %arg4[%select_n3A, %mul3A_32, %mul3A_131] : memref<2x1024x18816xf32, #tpu.memory_space<hbm>> -> memref<1x64x384xf32, #tpu.memory_space<hbm>>
      %dma_start3A_133 = tpu.memref_squeeze %dma_start3A_132 : memref<1x64x384xf32, #tpu.memory_space<hbm>> -> memref<64x384xf32, #tpu.memory_space<hbm>>
      %dma_start3A_134 = tpu.memref_slice %arg4[%select_n3A, %mul3A_32, %mul3A_131] : memref<2x1024x18816xf32, #tpu.memory_space<hbm>> -> memref<1x64x384xf32, #tpu.memory_space<hbm>>
      %dma_start3A_135 = tpu.memref_squeeze %dma_start3A_134 : memref<1x64x384xf32, #tpu.memory_space<hbm>> -> memref<64x384xf32, #tpu.memory_space<hbm>>
      tpu.enqueue_dma source(%arg7 : memref<64x384xf32, #tpu.memory_space<vmem>>) target(%dma_start3A_135 : memref<64x384xf32, #tpu.memory_space<hbm>>) target_semaphore(%arg15 : memref<!tpu.dma_semaphore, #tpu.memory_space<semaphore_mem>>)
      %mul3A_136 = arith.constant 4 : i32
      %mul3A_137 = arith.muli %scan3A_80, %mul3A_136 : i32
      %add3A_138 = arith.constant 2 : i32
      %add3A_139 = arith.addi %mul3A_137, %add3A_138 : i32
      %dma_wait3A_140 = arith.constant 0 : i32
      %dma_wait3A_141 = tpu.memref_slice %arg4[%select_n3A, %mul3A_32, %dma_wait3A_140] : memref<2x1024x18816xf32, #tpu.memory_space<hbm>> -> memref<1x64x384xf32, #tpu.memory_space<hbm>>
      %dma_wait3A_142 = tpu.memref_squeeze %dma_wait3A_141 : memref<1x64x384xf32, #tpu.memory_space<hbm>> -> memref<64x384xf32, #tpu.memory_space<hbm>>
      %dma_wait3A_143 = arith.constant 0 : i32
      %dma_wait3A_144 = tpu.memref_slice %arg4[%select_n3A, %mul3A_32, %dma_wait3A_143] : memref<2x1024x18816xf32, #tpu.memory_space<hbm>> -> memref<1x64x384xf32, #tpu.memory_space<hbm>>
      %dma_wait3A_145 = tpu.memref_squeeze %dma_wait3A_144 : memref<1x64x384xf32, #tpu.memory_space<hbm>> -> memref<64x384xf32, #tpu.memory_space<hbm>>
      tpu.wait_dma2 semaphore(%arg14 : memref<!tpu.dma_semaphore, #tpu.memory_space<semaphore_mem>>) src(%arg6 : memref<64x384xf32, #tpu.memory_space<vmem>>) dst(%dma_wait3A_145 : memref<64x384xf32, #tpu.memory_space<hbm>>)
      %add3A_146 = arith.constant 2 : i32
      %add3A_147 = arith.addi %add3A_139, %add3A_146 : i32
      %dma_start3A_148 = arith.constant 0 : i32
      %dma_start3A_149 = tpu.memref_slice %arg5[%add3A_147, %dma_start3A_148] : memref<49x64xi32, #tpu.memory_space<vmem>> -> memref<1x64xi32, #tpu.memory_space<vmem>>
      %dma_start3A_150 = tpu.memref_squeeze %dma_start3A_149 : memref<1x64xi32, #tpu.memory_space<vmem>> -> memref<64xi32, #tpu.memory_space<vmem>>
      %dma_start3A_151 = arith.constant 0 : i32
      %dma_start3A_152 = arith.constant 0 : i32
      %dma_start3A_153 = tpu.memref_slice %arg2[%dma_start3A_151, %dma_start3A_152] : memref<2738x384xf32, #tpu.memory_space<hbm>> -> memref<2738x384xf32, #tpu.memory_space<hbm>>
      tpu.enqueue_indirect_dma source(%dma_start3A_153 : memref<2738x384xf32, #tpu.memory_space<hbm>>) target(%arg6 : memref<64x384xf32, #tpu.memory_space<vmem>>) offsets(%dma_start3A_150 : memref<64xi32, #tpu.memory_space<vmem>>) semaphore(%arg10 : memref<!tpu.dma_semaphore, #tpu.memory_space<semaphore_mem>>)
      %dma_wait3A_154 = arith.constant 0 : i32
      %dma_wait3A_155 = arith.constant 0 : i32
      %dma_wait3A_156 = tpu.memref_slice %arg2[%dma_wait3A_154, %dma_wait3A_155] : memref<2738x384xf32, #tpu.memory_space<hbm>> -> memref<64x384xf32, #tpu.memory_space<hbm>>
      %dma_wait3A_157 = arith.constant 0 : i32
      %dma_wait3A_158 = arith.constant 0 : i32
      %dma_wait3A_159 = tpu.memref_slice %arg2[%dma_wait3A_157, %dma_wait3A_158] : memref<2738x384xf32, #tpu.memory_space<hbm>> -> memref<64x384xf32, #tpu.memory_space<hbm>>
      tpu.wait_dma2 semaphore(%arg12 : memref<!tpu.dma_semaphore, #tpu.memory_space<semaphore_mem>>) src(%dma_wait3A_159 : memref<64x384xf32, #tpu.memory_space<hbm>>) dst(%arg8 : memref<64x384xf32, #tpu.memory_space<vmem>>)
      %mul3A_160 = arith.constant 384 : i32
      %mul3A_161 = arith.muli %add3A_139, %mul3A_160 : i32
      %dma_start3A_162 = tpu.memref_slice %arg4[%select_n3A, %mul3A_32, %mul3A_161] : memref<2x1024x18816xf32, #tpu.memory_space<hbm>> -> memref<1x64x384xf32, #tpu.memory_space<hbm>>
      %dma_start3A_163 = tpu.memref_squeeze %dma_start3A_162 : memref<1x64x384xf32, #tpu.memory_space<hbm>> -> memref<64x384xf32, #tpu.memory_space<hbm>>
      %dma_start3A_164 = tpu.memref_slice %arg4[%select_n3A, %mul3A_32, %mul3A_161] : memref<2x1024x18816xf32, #tpu.memory_space<hbm>> -> memref<1x64x384xf32, #tpu.memory_space<hbm>>
      %dma_start3A_165 = tpu.memref_squeeze %dma_start3A_164 : memref<1x64x384xf32, #tpu.memory_space<hbm>> -> memref<64x384xf32, #tpu.memory_space<hbm>>
      tpu.enqueue_dma source(%arg8 : memref<64x384xf32, #tpu.memory_space<vmem>>) target(%dma_start3A_165 : memref<64x384xf32, #tpu.memory_space<hbm>>) target_semaphore(%arg16 : memref<!tpu.dma_semaphore, #tpu.memory_space<semaphore_mem>>)
      %mul3A_166 = arith.constant 4 : i32
      %mul3A_167 = arith.muli %scan3A_80, %mul3A_166 : i32
      %add3A_168 = arith.constant 3 : i32
      %add3A_169 = arith.addi %mul3A_167, %add3A_168 : i32
      %dma_wait3A_170 = arith.constant 0 : i32
      %dma_wait3A_171 = tpu.memref_slice %arg4[%select_n3A, %mul3A_32, %dma_wait3A_170] : memref<2x1024x18816xf32, #tpu.memory_space<hbm>> -> memref<1x64x384xf32, #tpu.memory_space<hbm>>
      %dma_wait3A_172 = tpu.memref_squeeze %dma_wait3A_171 : memref<1x64x384xf32, #tpu.memory_space<hbm>> -> memref<64x384xf32, #tpu.memory_space<hbm>>
      %dma_wait3A_173 = arith.constant 0 : i32
      %dma_wait3A_174 = tpu.memref_slice %arg4[%select_n3A, %mul3A_32, %dma_wait3A_173] : memref<2x1024x18816xf32, #tpu.memory_space<hbm>> -> memref<1x64x384xf32, #tpu.memory_space<hbm>>
      %dma_wait3A_175 = tpu.memref_squeeze %dma_wait3A_174 : memref<1x64x384xf32, #tpu.memory_space<hbm>> -> memref<64x384xf32, #tpu.memory_space<hbm>>
      tpu.wait_dma2 semaphore(%arg15 : memref<!tpu.dma_semaphore, #tpu.memory_space<semaphore_mem>>) src(%arg7 : memref<64x384xf32, #tpu.memory_space<vmem>>) dst(%dma_wait3A_175 : memref<64x384xf32, #tpu.memory_space<hbm>>)
      %lt3A_176 = arith.constant 11 : i32
      %lt3A_177 = arith.cmpi slt, %scan3A_80, %lt3A_176 : i32
      %convert_element_type3A_178 = arith.extui %lt3A_177 : i1 to i32
      %cond3A_179 = arith.constant 0 : i32
      %cond3A_180 = arith.cmpi ne, %convert_element_type3A_178, %cond3A_179 : i32
      scf.if %cond3A_180 {
        %add3A_193 = arith.constant 2 : i32
        %add3A_194 = arith.addi %add3A_169, %add3A_193 : i32
        %dma_start3A_195 = arith.constant 0 : i32
        %dma_start3A_196 = tpu.memref_slice %arg5[%add3A_194, %dma_start3A_195] : memref<49x64xi32, #tpu.memory_space<vmem>> -> memref<1x64xi32, #tpu.memory_space<vmem>>
        %dma_start3A_197 = tpu.memref_squeeze %dma_start3A_196 : memref<1x64xi32, #tpu.memory_space<vmem>> -> memref<64xi32, #tpu.memory_space<vmem>>
        %dma_start3A_198 = arith.constant 0 : i32
        %dma_start3A_199 = arith.constant 0 : i32
        %dma_start3A_200 = tpu.memref_slice %arg2[%dma_start3A_198, %dma_start3A_199] : memref<2738x384xf32, #tpu.memory_space<hbm>> -> memref<2738x384xf32, #tpu.memory_space<hbm>>
        tpu.enqueue_indirect_dma source(%dma_start3A_200 : memref<2738x384xf32, #tpu.memory_space<hbm>>) target(%arg7 : memref<64x384xf32, #tpu.memory_space<vmem>>) offsets(%dma_start3A_197 : memref<64xi32, #tpu.memory_space<vmem>>) semaphore(%arg11 : memref<!tpu.dma_semaphore, #tpu.memory_space<semaphore_mem>>)
      } else {
      }
      %dma_wait3A_181 = arith.constant 0 : i32
      %dma_wait3A_182 = arith.constant 0 : i32
      %dma_wait3A_183 = tpu.memref_slice %arg2[%dma_wait3A_181, %dma_wait3A_182] : memref<2738x384xf32, #tpu.memory_space<hbm>> -> memref<64x384xf32, #tpu.memory_space<hbm>>
      %dma_wait3A_184 = arith.constant 0 : i32
      %dma_wait3A_185 = arith.constant 0 : i32
      %dma_wait3A_186 = tpu.memref_slice %arg2[%dma_wait3A_184, %dma_wait3A_185] : memref<2738x384xf32, #tpu.memory_space<hbm>> -> memref<64x384xf32, #tpu.memory_space<hbm>>
      tpu.wait_dma2 semaphore(%arg13 : memref<!tpu.dma_semaphore, #tpu.memory_space<semaphore_mem>>) src(%dma_wait3A_186 : memref<64x384xf32, #tpu.memory_space<hbm>>) dst(%arg9 : memref<64x384xf32, #tpu.memory_space<vmem>>)
      %mul3A_187 = arith.constant 384 : i32
      %mul3A_188 = arith.muli %add3A_169, %mul3A_187 : i32
      %dma_start3A_189 = tpu.memref_slice %arg4[%select_n3A, %mul3A_32, %mul3A_188] : memref<2x1024x18816xf32, #tpu.memory_space<hbm>> -> memref<1x64x384xf32, #tpu.memory_space<hbm>>
      %dma_start3A_190 = tpu.memref_squeeze %dma_start3A_189 : memref<1x64x384xf32, #tpu.memory_space<hbm>> -> memref<64x384xf32, #tpu.memory_space<hbm>>
      %dma_start3A_191 = tpu.memref_slice %arg4[%select_n3A, %mul3A_32, %mul3A_188] : memref<2x1024x18816xf32, #tpu.memory_space<hbm>> -> memref<1x64x384xf32, #tpu.memory_space<hbm>>
      %dma_start3A_192 = tpu.memref_squeeze %dma_start3A_191 : memref<1x64x384xf32, #tpu.memory_space<hbm>> -> memref<64x384xf32, #tpu.memory_space<hbm>>
      tpu.enqueue_dma source(%arg9 : memref<64x384xf32, #tpu.memory_space<vmem>>) target(%dma_start3A_192 : memref<64x384xf32, #tpu.memory_space<hbm>>) target_semaphore(%arg17 : memref<!tpu.dma_semaphore, #tpu.memory_space<semaphore_mem>>)
    }
    %scan3A_50 = arith.constant 12 : i32
    %dma_wait3A = arith.constant 0 : i32
    %dma_wait3A_51 = tpu.memref_slice %arg4[%select_n3A, %mul3A_32, %dma_wait3A] : memref<2x1024x18816xf32, #tpu.memory_space<hbm>> -> memref<1x64x384xf32, #tpu.memory_space<hbm>>
    %dma_wait3A_52 = tpu.memref_squeeze %dma_wait3A_51 : memref<1x64x384xf32, #tpu.memory_space<hbm>> -> memref<64x384xf32, #tpu.memory_space<hbm>>
    %dma_wait3A_53 = arith.constant 0 : i32
    %dma_wait3A_54 = tpu.memref_slice %arg4[%select_n3A, %mul3A_32, %dma_wait3A_53] : memref<2x1024x18816xf32, #tpu.memory_space<hbm>> -> memref<1x64x384xf32, #tpu.memory_space<hbm>>
    %dma_wait3A_55 = tpu.memref_squeeze %dma_wait3A_54 : memref<1x64x384xf32, #tpu.memory_space<hbm>> -> memref<64x384xf32, #tpu.memory_space<hbm>>
    tpu.wait_dma2 semaphore(%arg16 : memref<!tpu.dma_semaphore, #tpu.memory_space<semaphore_mem>>) src(%arg8 : memref<64x384xf32, #tpu.memory_space<vmem>>) dst(%dma_wait3A_55 : memref<64x384xf32, #tpu.memory_space<hbm>>)
    %dma_wait3A_56 = arith.constant 0 : i32
    %dma_wait3A_57 = arith.constant 0 : i32
    %dma_wait3A_58 = tpu.memref_slice %arg2[%dma_wait3A_56, %dma_wait3A_57] : memref<2738x384xf32, #tpu.memory_space<hbm>> -> memref<64x384xf32, #tpu.memory_space<hbm>>
    %dma_wait3A_59 = arith.constant 0 : i32
    %dma_wait3A_60 = arith.constant 0 : i32
    %dma_wait3A_61 = tpu.memref_slice %arg2[%dma_wait3A_59, %dma_wait3A_60] : memref<2738x384xf32, #tpu.memory_space<hbm>> -> memref<64x384xf32, #tpu.memory_space<hbm>>
    tpu.wait_dma2 semaphore(%arg10 : memref<!tpu.dma_semaphore, #tpu.memory_space<semaphore_mem>>) src(%dma_wait3A_61 : memref<64x384xf32, #tpu.memory_space<hbm>>) dst(%arg6 : memref<64x384xf32, #tpu.memory_space<vmem>>)
    %dma_start3A_62 = arith.constant 18432 : i32
    %dma_start3A_63 = tpu.memref_slice %arg4[%select_n3A, %mul3A_32, %dma_start3A_62] : memref<2x1024x18816xf32, #tpu.memory_space<hbm>> -> memref<1x64x384xf32, #tpu.memory_space<hbm>>
    %dma_start3A_64 = tpu.memref_squeeze %dma_start3A_63 : memref<1x64x384xf32, #tpu.memory_space<hbm>> -> memref<64x384xf32, #tpu.memory_space<hbm>>
    %dma_start3A_65 = arith.constant 18432 : i32
    %dma_start3A_66 = tpu.memref_slice %arg4[%select_n3A, %mul3A_32, %dma_start3A_65] : memref<2x1024x18816xf32, #tpu.memory_space<hbm>> -> memref<1x64x384xf32, #tpu.memory_space<hbm>>
    %dma_start3A_67 = tpu.memref_squeeze %dma_start3A_66 : memref<1x64x384xf32, #tpu.memory_space<hbm>> -> memref<64x384xf32, #tpu.memory_space<hbm>>
    tpu.enqueue_dma source(%arg6 : memref<64x384xf32, #tpu.memory_space<vmem>>) target(%dma_start3A_67 : memref<64x384xf32, #tpu.memory_space<hbm>>) target_semaphore(%arg14 : memref<!tpu.dma_semaphore, #tpu.memory_space<semaphore_mem>>)
    %dma_wait3A_68 = arith.constant 0 : i32
    %dma_wait3A_69 = tpu.memref_slice %arg4[%select_n3A, %mul3A_32, %dma_wait3A_68] : memref<2x1024x18816xf32, #tpu.memory_space<hbm>> -> memref<1x64x384xf32, #tpu.memory_space<hbm>>
    %dma_wait3A_70 = tpu.memref_squeeze %dma_wait3A_69 : memref<1x64x384xf32, #tpu.memory_space<hbm>> -> memref<64x384xf32, #tpu.memory_space<hbm>>
    %dma_wait3A_71 = arith.constant 0 : i32
    %dma_wait3A_72 = tpu.memref_slice %arg4[%select_n3A, %mul3A_32, %dma_wait3A_71] : memref<2x1024x18816xf32, #tpu.memory_space<hbm>> -> memref<1x64x384xf32, #tpu.memory_space<hbm>>
    %dma_wait3A_73 = tpu.memref_squeeze %dma_wait3A_72 : memref<1x64x384xf32, #tpu.memory_space<hbm>> -> memref<64x384xf32, #tpu.memory_space<hbm>>
    tpu.wait_dma2 semaphore(%arg17 : memref<!tpu.dma_semaphore, #tpu.memory_space<semaphore_mem>>) src(%arg9 : memref<64x384xf32, #tpu.memory_space<vmem>>) dst(%dma_wait3A_73 : memref<64x384xf32, #tpu.memory_space<hbm>>)
    %dma_wait3A_74 = arith.constant 0 : i32
    %dma_wait3A_75 = tpu.memref_slice %arg4[%select_n3A, %mul3A_32, %dma_wait3A_74] : memref<2x1024x18816xf32, #tpu.memory_space<hbm>> -> memref<1x64x384xf32, #tpu.memory_space<hbm>>
    %dma_wait3A_76 = tpu.memref_squeeze %dma_wait3A_75 : memref<1x64x384xf32, #tpu.memory_space<hbm>> -> memref<64x384xf32, #tpu.memory_space<hbm>>
    %dma_wait3A_77 = arith.constant 0 : i32
    %dma_wait3A_78 = tpu.memref_slice %arg4[%select_n3A, %mul3A_32, %dma_wait3A_77] : memref<2x1024x18816xf32, #tpu.memory_space<hbm>> -> memref<1x64x384xf32, #tpu.memory_space<hbm>>
    %dma_wait3A_79 = tpu.memref_squeeze %dma_wait3A_78 : memref<1x64x384xf32, #tpu.memory_space<hbm>> -> memref<64x384xf32, #tpu.memory_space<hbm>>
    tpu.wait_dma2 semaphore(%arg14 : memref<!tpu.dma_semaphore, #tpu.memory_space<semaphore_mem>>) src(%arg6 : memref<64x384xf32, #tpu.memory_space<vmem>>) dst(%dma_wait3A_79 : memref<64x384xf32, #tpu.memory_space<hbm>>)
    return
  }
}

module attributes {stable_mosaic.version = 14 : i64} {
  func.func @_rows_tc_kernel(%arg0: memref<1x1xf32, #tpu.memory_space<smem>>, %arg1: memref<2x1024xi32, #tpu.memory_space<vmem>>, %arg2: memref<2x1024x49xi32, #tpu.memory_space<vmem>>) attributes {dimension_semantics = [], scalar_prefetch = 0 : i64, scratch_operands = 0 : i64, tpu.core_type = #tpu.core_type<tc>} {
    %get3A = arith.constant 0 : index
    %get3A_0 = arith.constant 0 : index
    %get3A_1 = memref.load %arg0[%get3A, %get3A_0] : memref<1x1xf32, #tpu.memory_space<smem>>
    %get3A_2 = arith.constant 0 : index
    %get3A_3 = arith.constant 0 : index
    %get3A_4 = vector.load %arg1[%get3A_2, %get3A_3] : memref<2x1024xi32, #tpu.memory_space<vmem>>, vector<2x1024xi32>
    %convert_element_type3A = arith.sitofp %get3A_4 : vector<2x1024xi32> to vector<2x1024xf32>
    %div3A = vector.broadcast %get3A_1 : f32 to vector<2x1024xf32>
    %div3A_5 = arith.divf %convert_element_type3A, %div3A : vector<2x1024xf32>
    %floor3A = math.floor %div3A_5 : vector<2x1024xf32>
    %mul3A = vector.broadcast %get3A_1 : f32 to vector<2x1024xf32>
    %mul3A_6 = arith.mulf %floor3A, %mul3A : vector<2x1024xf32>
    %sub3A = arith.subf %convert_element_type3A, %mul3A_6 : vector<2x1024xf32>
    %div3A_7 = arith.constant 1.400000e+01 : f32
    %div3A_8 = vector.broadcast %div3A_7 : f32 to vector<2x1024xf32>
    %div3A_9 = arith.divf %floor3A, %div3A_8 : vector<2x1024xf32>
    %jit3A = arith.constant 0.000000e+00 : f32
    %jit3A_10 = arith.constant 3.600000e+01 : f32
    %max3A = vector.broadcast %jit3A : f32 to vector<2x1024xf32>
    %max3A_11 = arith.maximumf %max3A, %div3A_9 : vector<2x1024xf32>
    %min3A = vector.broadcast %jit3A_10 : f32 to vector<2x1024xf32>
    %min3A_12 = arith.minimumf %min3A, %max3A_11 : vector<2x1024xf32>
    %div3A_13 = arith.constant 1.400000e+01 : f32
    %div3A_14 = vector.broadcast %div3A_13 : f32 to vector<2x1024xf32>
    %div3A_15 = arith.divf %sub3A, %div3A_14 : vector<2x1024xf32>
    %jit3A_16 = arith.constant 0.000000e+00 : f32
    %jit3A_17 = arith.constant 3.600000e+01 : f32
    %max3A_18 = vector.broadcast %jit3A_16 : f32 to vector<2x1024xf32>
    %max3A_19 = arith.maximumf %max3A_18, %div3A_15 : vector<2x1024xf32>
    %min3A_20 = vector.broadcast %jit3A_17 : f32 to vector<2x1024xf32>
    %min3A_21 = arith.minimumf %min3A_20, %max3A_19 : vector<2x1024xf32>
    %iota3A = tpu.iota {dimensions = array<i32: 2>} : vector<1x1x49xi32>
    %jit3A_22 = arith.constant 7 : i32
    %div3A_23 = vector.broadcast %jit3A_22 : i32 to vector<1x1x49xi32>
    %div3A_24 = arith.divsi %iota3A, %div3A_23 : vector<1x1x49xi32>
    %sign3A = arith.constant 0 : i32
    %sign3A_25 = vector.broadcast %sign3A : i32 to vector<1x1x49xi32>
    %sign3A_26 = arith.cmpi sgt, %iota3A, %sign3A_25 : vector<1x1x49xi32>
    %sign3A_27 = arith.extui %sign3A_26 : vector<1x1x49xi1> to vector<1x1x49xi32>
    %sign3A_28 = arith.constant 0 : i32
    %sign3A_29 = vector.broadcast %sign3A_28 : i32 to vector<1x1x49xi32>
    %sign3A_30 = arith.cmpi slt, %iota3A, %sign3A_29 : vector<1x1x49xi32>
    %sign3A_31 = arith.extui %sign3A_30 : vector<1x1x49xi1> to vector<1x1x49xi32>
    %sign3A_32 = arith.subi %sign3A_27, %sign3A_31 : vector<1x1x49xi32>
    %sign3A_33 = arith.constant 0 : i32
    %sign3A_34 = arith.cmpi sgt, %jit3A_22, %sign3A_33 : i32
    %sign3A_35 = arith.extui %sign3A_34 : i1 to i32
    %sign3A_36 = arith.constant 0 : i32
    %sign3A_37 = arith.cmpi slt, %jit3A_22, %sign3A_36 : i32
    %sign3A_38 = arith.extui %sign3A_37 : i1 to i32
    %sign3A_39 = arith.subi %sign3A_35, %sign3A_38 : i32
    %ne3A = vector.broadcast %sign3A_39 : i32 to vector<1x1x49xi32>
    %ne3A_40 = arith.cmpi ne, %sign3A_32, %ne3A : vector<1x1x49xi32>
    %rem3A = vector.broadcast %jit3A_22 : i32 to vector<1x1x49xi32>
    %rem3A_41 = arith.remsi %iota3A, %rem3A : vector<1x1x49xi32>
    %ne3A_42 = arith.constant 0 : i32
    %ne3A_43 = vector.broadcast %ne3A_42 : i32 to vector<1x1x49xi32>
    %ne3A_44 = arith.cmpi ne, %rem3A_41, %ne3A_43 : vector<1x1x49xi32>
    %and3A = arith.andi %ne3A_40, %ne3A_44 : vector<1x1x49xi1>
    %sub3A_45 = arith.constant 1 : i32
    %sub3A_46 = vector.broadcast %sub3A_45 : i32 to vector<1x1x49xi32>
    %sub3A_47 = arith.subi %div3A_24, %sub3A_46 : vector<1x1x49xi32>
    %select_n3A = arith.select %and3A, %sub3A_47, %div3A_24 : vector<1x1x49xi1>, vector<1x1x49xi32>
    %sub3A_48 = arith.constant 3 : i32
    %sub3A_49 = vector.broadcast %sub3A_48 : i32 to vector<1x1x49xi32>
    %sub3A_50 = arith.subi %select_n3A, %sub3A_49 : vector<1x1x49xi32>
    %convert_element_type3A_51 = arith.sitofp %sub3A_50 : vector<1x1x49xi32> to vector<1x1x49xf32>
    %mul3A_52 = arith.constant 2.000000e+00 : f32
    %mul3A_53 = vector.broadcast %mul3A_52 : f32 to vector<1x1x49xf32>
    %mul3A_54 = arith.mulf %convert_element_type3A_51, %mul3A_53 : vector<1x1x49xf32>
    %jit3A_55 = arith.constant 7 : i32
    %eq3A = arith.constant 0 : i32
    %eq3A_56 = arith.cmpi eq, %jit3A_55, %eq3A : i32
    %jit3A_57 = arith.constant 1 : i32
    %select_n3A_58 = arith.select %eq3A_56, %jit3A_57, %jit3A_55 : i32
    %rem3A_59 = vector.broadcast %select_n3A_58 : i32 to vector<1x1x49xi32>
    %rem3A_60 = arith.remsi %iota3A, %rem3A_59 : vector<1x1x49xi32>
    %ne3A_61 = arith.constant 0 : i32
    %ne3A_62 = vector.broadcast %ne3A_61 : i32 to vector<1x1x49xi32>
    %ne3A_63 = arith.cmpi ne, %rem3A_60, %ne3A_62 : vector<1x1x49xi32>
    %lt3A = arith.constant 0 : i32
    %lt3A_64 = vector.broadcast %lt3A : i32 to vector<1x1x49xi32>
    %lt3A_65 = arith.cmpi slt, %rem3A_60, %lt3A_64 : vector<1x1x49xi32>
    %lt3A_66 = arith.constant 0 : i32
    %lt3A_67 = arith.cmpi slt, %select_n3A_58, %lt3A_66 : i32
    %ne3A_68 = vector.broadcast %lt3A_67 : i1 to vector<1x1x49xi1>
    %ne3A_69 = vector.broadcast %ne3A_68 : vector<1x1x49xi1> to vector<1x1x49xi1>
    %ne3A_70 = arith.xori %lt3A_65, %ne3A_69 : vector<1x1x49xi1>
    %and3A_71 = arith.andi %ne3A_70, %ne3A_63 : vector<1x1x49xi1>
    %add3A = vector.broadcast %select_n3A_58 : i32 to vector<1x1x49xi32>
    %add3A_72 = arith.addi %rem3A_60, %add3A : vector<1x1x49xi32>
    %select_n3A_73 = arith.select %and3A_71, %add3A_72, %rem3A_60 : vector<1x1x49xi1>, vector<1x1x49xi32>
    %sub3A_74 = arith.constant 3 : i32
    %sub3A_75 = vector.broadcast %sub3A_74 : i32 to vector<1x1x49xi32>
    %sub3A_76 = arith.subi %select_n3A_73, %sub3A_75 : vector<1x1x49xi32>
    %convert_element_type3A_77 = arith.sitofp %sub3A_76 : vector<1x1x49xi32> to vector<1x1x49xf32>
    %mul3A_78 = arith.constant 2.000000e+00 : f32
    %mul3A_79 = vector.broadcast %mul3A_78 : f32 to vector<1x1x49xf32>
    %mul3A_80 = arith.mulf %convert_element_type3A_77, %mul3A_79 : vector<1x1x49xf32>
    %broadcast_in_dim3A = vector.shape_cast %min3A_12 : vector<2x1024xf32> to vector<2x1024x1xf32>
    %add3A_81 = vector.broadcast %broadcast_in_dim3A : vector<2x1024x1xf32> to vector<2x1024x49xf32>
    %add3A_82 = vector.broadcast %mul3A_54 : vector<1x1x49xf32> to vector<2x1024x49xf32>
    %add3A_83 = arith.addf %add3A_81, %add3A_82 : vector<2x1024x49xf32>
    %jit3A_84 = arith.constant 0.000000e+00 : f32
    %jit3A_85 = arith.constant 3.600000e+01 : f32
    %max3A_86 = vector.broadcast %jit3A_84 : f32 to vector<2x1024x49xf32>
    %max3A_87 = arith.maximumf %max3A_86, %add3A_83 : vector<2x1024x49xf32>
    %min3A_88 = vector.broadcast %jit3A_85 : f32 to vector<2x1024x49xf32>
    %min3A_89 = arith.minimumf %min3A_88, %max3A_87 : vector<2x1024x49xf32>
    %broadcast_in_dim3A_90 = vector.shape_cast %min3A_21 : vector<2x1024xf32> to vector<2x1024x1xf32>
    %add3A_91 = vector.broadcast %broadcast_in_dim3A_90 : vector<2x1024x1xf32> to vector<2x1024x49xf32>
    %add3A_92 = vector.broadcast %mul3A_80 : vector<1x1x49xf32> to vector<2x1024x49xf32>
    %add3A_93 = arith.addf %add3A_91, %add3A_92 : vector<2x1024x49xf32>
    %jit3A_94 = arith.constant 0.000000e+00 : f32
    %jit3A_95 = arith.constant 3.600000e+01 : f32
    %max3A_96 = vector.broadcast %jit3A_94 : f32 to vector<2x1024x49xf32>
    %max3A_97 = arith.maximumf %max3A_96, %add3A_93 : vector<2x1024x49xf32>
    %min3A_98 = vector.broadcast %jit3A_95 : f32 to vector<2x1024x49xf32>
    %min3A_99 = arith.minimumf %min3A_98, %max3A_97 : vector<2x1024x49xf32>
    %round3A = math.roundeven %min3A_89 : vector<2x1024x49xf32>
    %convert_element_type3A_100 = arith.fptosi %round3A : vector<2x1024x49xf32> to vector<2x1024x49xi32>
    %round3A_101 = math.roundeven %min3A_99 : vector<2x1024x49xf32>
    %convert_element_type3A_102 = arith.fptosi %round3A_101 : vector<2x1024x49xf32> to vector<2x1024x49xi32>
    %iota3A_103 = tpu.iota {dimensions = array<i32: 0>} : vector<2x1024x49xi32>
    %mul3A_104 = arith.constant 1369 : i32
    %mul3A_105 = vector.broadcast %mul3A_104 : i32 to vector<2x1024x49xi32>
    %mul3A_106 = arith.muli %iota3A_103, %mul3A_105 : vector<2x1024x49xi32>
    %mul3A_107 = arith.constant 37 : i32
    %mul3A_108 = vector.broadcast %mul3A_107 : i32 to vector<2x1024x49xi32>
    %mul3A_109 = arith.muli %convert_element_type3A_100, %mul3A_108 : vector<2x1024x49xi32>
    %add3A_110 = arith.addi %mul3A_106, %mul3A_109 : vector<2x1024x49xi32>
    %add3A_111 = arith.addi %add3A_110, %convert_element_type3A_102 : vector<2x1024x49xi32>
    %swap3A = arith.constant 0 : index
    %swap3A_112 = arith.constant 0 : index
    %swap3A_113 = arith.constant 0 : index
    %swap3A_114 = vector.load %arg2[%swap3A, %swap3A_112, %swap3A_113] : memref<2x1024x49xi32, #tpu.memory_space<vmem>>, vector<2x1024x49xi32>
    tpu.vector_store %arg2[%swap3A, %swap3A_112, %swap3A_113], %add3A_111 {strides = array<i32>} : memref<2x1024x49xi32, #tpu.memory_space<vmem>>, vector<2x1024x49xi32>,
    return
  }
}

</mosaic_0001>

<sc_bundles>
// kernel: kernel.4.cloned.1.call-start
scs
__scs_entry_jumppad:
0x0: {  	(pc) =	sbr.rel $0x88, $3  }
0x1: {  	(tag) =	ssettag $0x0;
	lr =	simm.s32 $0x1  }
0x2: {  	[smem:$0x3F9E] =	sst lr;
	_ =	strace $0xD0000000  }
0x3: {  	_ = 	snop  }
0x4: {  	_ = 	snop  }
0x5: {  	_ = 	snop  }
0x6: {  	_ = 	snop  }
0x7: {  	_ = 	snop  }
__scs_overlays_trampoline_lowered:
0x8: {  	[smem:$0x3FAD] =	sst s0  }
0x9: {  	[smem:$0x3FAE] =	sst s1  }
0xa: {  	[smem:$0x3FAF] =	sst s2  }
0xb: {  	[smem:$0x3FB0] =	sst s3  }
0xc: {  	[smem:$0x3FB1] =	sst s4  }
0xd: {  	[smem:$0x3FB2] =	sst s5  }
0xe: {  	[smem:$0x3FB3] =	sst s6  }
0xf: {  	[smem:$0x3FB4] =	sst s7  }
0x10: {  	[smem:$0x3FB5] =	sst s8  }
0x11: {  	[smem:$0x3FB6] =	sst s9;
	s0 =	simm.s32 @!p0 $0x0  }
0x12: {  	s1 =	sld [smem:$0x3F9C];
	s0 =	simm.s32 @p0 $0x1  }
0x13: {  	[smem:$0x3FB7] =	sst s0;
	s0 =	simm.s32 @!p1 $0x0  }
0x14: {  	s2 =	sld [smem:$0x3F9B];
	s0 =	simm.s32 @p1 $0x1  }
0x15: {  	[smem:$0x3FB8] =	sst s0;
	s0 =	simm.s32 @!p2 $0x0  }
0x16: {  	s3 =	sld [smem:$0x3FDB];
	s0 =	simm.s32 @p2 $0x1  }
0x17: {  	s4 =	simm.s32 $0x1BF5;
	[smem:$0x3FBA] =	sst s0  }
0x18: {  	s0 =	sld [smem:$0x3F9D];
	_ =	swait.ge [sflag:s4], $0x0  }
0x19: {  	s7 =	sld [smem:$0x3F9E]  }
0x1a: {  	s8 =	sadd.s32 $0xFFFFE003, lr  }
0x1b: {  	s9 =	sadd.s32 $0xFFFFFEF7, lr;
	s5 =	simm.s32 $0xFFFFFFFF;
	p2 =	slt.u32 s8, $0xFFFFF086  }
0x1c: {  	p1 =	slt.u32 s9, $0xF7A;
	s5 =	simm.s32 @!p2 $0x0  }
0x1d: {  	s5 =	simm.s32 @p1 $0x1;
	p0 =	seq.s32 s7, s2  }
0x1e: {  	s7 =	smul.u32 @!p0 $0xF7A, s2;
	p2 =	seq.s32 @!p0 s5, $0x0  }
0x1f: {  	s9 =	smul.u32 $0xF7A, s1;
	s8 =	simm.s32 @!p0 $0x1BF5;
	p2 =	por !p2, p0  }
0x20: {  	[sflag:s8] =	ssyncset.s32 @!p0 $0xFFFFF086;
	s6 =	sadd.s32 @!p0 s3, s7;
	s7 =	simm.s32 @!p0 $0x108  }
0x21: {  	s3 =	sadd.s32 s3, s9;
	s6 =	sadd.s32 @!p0 $0x88, s6;
	s7 =	simm.s32 @p2 $0x1082  }
0x22: {  	[simem:s7], [sflag:s8] =	dma.local @!p0 [hbm:s6], $0xF7A  }
0x23: {  	s9 =	sor.u32 $0xD0000000, s2;
	s6 =	simm.s32 $0x108;
	_ =	swait.ge @!p0 [sflag:s8], $0x0  }
0x24: {  	s3 =	sadd.s32 $0x88, s3;
	s6 =	simm.s32 @!p1 $0x1082;
	[sflag:s4] =	ssyncset.s32 $0xFFFFF086  }
0x25: {  	[simem:s6], [sflag:s4] =	dma.local [hbm:s3], $0xF7A  }
0x26: {  	[smem:$0x3F9E] =	sst s1;
	(tag) =	ssettag s2;
	_ =	strace s9  }
0x27: {  	s1 =	sld [smem:$0x3FAE]  }
0x28: {  	s2 =	sld [smem:$0x3FAF]  }
0x29: {  	s4 =	sld [smem:$0x3FB1]  }
0x2a: {  	p0 =	seq.s32 s5, $0x0;
	s5 =	sld [smem:$0x3FB2]  }
0x2b: {  	s6 =	sld [smem:$0x3FB3]  }
0x2c: {  	s7 =	sld [smem:$0x3FB4]  }
0x2d: {  	s3 =	simm.s32 $0x108;
	s8 =	sld [smem:$0x3FB5]  }
0x2e: {  	s3 =	simm.s32 @!p0 $0x1082;
	s9 =	sld [smem:$0x3FB6]  }
0x2f: {  	lr =	sadd.s32 s0, s3;
	s0 =	sld [smem:$0x3FAD]  }
0x30: {  	s3 =	sld [smem:$0x3FB0]  }
0x31: {  	[smem:$0x3FB9] =	sst s10  }
0x32: {  	s10 =	sld [smem:$0x3FB7];
	_ =	sdelay $0x3  }
0x33: {  	p0 =	seq.s32 s10, $0x1;
	s10 =	sld [smem:$0x3FB9];
	_ =	sdelay $0x3  }
0x34: {  	[smem:$0x3FB9] =	sst s10  }
0x35: {  	s10 =	sld [smem:$0x3FB8];
	_ =	sdelay $0x3  }
0x36: {  	p1 =	seq.s32 s10, $0x1;
	s10 =	sld [smem:$0x3FB9];
	_ =	sdelay $0x3  }
0x37: {  	[smem:$0x3FB9] =	sst s10  }
0x38: {  	s10 =	sld [smem:$0x3FBA]  }
0x39: {  	_ = 	snop;
	(pc) =	sbr.ind lr, $3  }
0x3a: {  	_ = 	snop  }
0x3b: {  	_ = 	snop  }
0x3c: {  	p2 =	seq.s32 s10, $0x1;
	s10 =	sld [smem:$0x3FB9]  }
0x3d: {  	_ =	shalt  }
0x3e: {  	_ =	shalt  }
0x3f: {  	_ =	shalt  }
0x40: {  	_ =	shalt  }
0x41: {  	_ =	shalt  }
0x42: {  	_ =	shalt  }
0x43: {  	_ =	shalt  }
0x44: {  	_ =	shalt  }
0x45: {  	_ =	shalt  }
0x46: {  	_ =	shalt  }
0x47: {  	_ =	shalt  }
0x48: {  	_ =	shalt  }
0x49: {  	_ =	shalt  }
0x4a: {  	_ =	shalt  }
0x4b: {  	_ =	shalt  }
0x4c: {  	_ =	shalt  }
0x4d: {  	_ =	shalt  }
0x4e: {  	_ =	shalt  }
0x4f: {  	_ =	shalt  }
0x50: {  	_ =	shalt  }
0x51: {  	_ =	shalt  }
0x52: {  	_ =	shalt  }
0x53: {  	_ =	shalt  }
0x54: {  	_ =	shalt  }
0x55: {  	_ =	shalt  }
0x56: {  	_ =	shalt  }
0x57: {  	_ =	shalt  }
0x58: {  	_ =	shalt  }
0x59: {  	_ =	shalt  }
0x5a: {  	_ =	shalt  }
0x5b: {  	_ =	shalt  }
0x5c: {  	_ =	shalt  }
0x5d: {  	_ =	shalt  }
0x5e: {  	_ =	shalt  }
0x5f: {  	_ =	shalt  }
0x60: {  	_ =	shalt  }
0x61: {  	_ =	shalt  }
0x62: {  	_ =	shalt  }
0x63: {  	_ =	shalt  }
0x64: {  	_ =	shalt  }
0x65: {  	_ =	shalt  }
0x66: {  	_ =	shalt  }
0x67: {  	_ =	shalt  }
0x68: {  	_ =	shalt  }
0x69: {  	_ =	shalt  }
0x6a: {  	_ =	shalt  }
0x6b: {  	_ =	shalt  }
0x6c: {  	_ =	shalt  }
0x6d: {  	_ =	shalt  }
0x6e: {  	_ =	shalt  }
0x6f: {  	_ =	shalt  }
0x70: {  	_ =	shalt  }
0x71: {  	_ =	shalt  }
0x72: {  	_ =	shalt  }
0x73: {  	_ =	shalt  }
0x74: {  	_ =	shalt  }
0x75: {  	_ =	shalt  }
0x76: {  	_ =	shalt  }
0x77: {  	_ =	shalt  }
0x78: {  	_ =	shalt  }
0x79: {  	_ =	shalt  }
0x7a: {  	_ =	shalt  }
0x7b: {  	_ =	shalt  }
0x7c: {  	_ =	shalt  }
0x7d: {  	_ =	shalt  }
0x7e: {  	_ =	shalt  }
0x7f: {  	_ =	shalt  }
0x80: {  	_ =	shalt  }
0x81: {  	_ =	shalt  }
0x82: {  	_ =	shalt  }
0x83: {  	_ =	shalt  }
0x84: {  	_ =	shalt  }
0x85: {  	_ =	shalt  }
0x86: {  	_ =	shalt  }
0x87: {  	_ =	shalt  }
.Lfunc_end0:
.L_simem_size_0:
called_computation_lowered:
.L_overlay_start_0:
0x88: {  	s2 =	sld [smem:$0x3FD9]  }
0x89: {  	s3 =	sld [smem:$0x3FFE];
	_ =	sdelay $0x1  }
0x8a: {  	s1 =	srdreg.scid  }
0x8b: {  	s0 =	sand.u32 $0x1, s1  }
0x8c: {  	s17 =	sshll.u32 s0, $0xA;
	s2 =	sadd.s32 s3, s2  }
0x8d: {  	s2 =	sadd.s32 s2, s17  }
0x8e: {  	[smem:$0x3FC5] =	sst s2  }
0x8f: {  	_ = 	snop  }
0x90: {  	s2 =	sld [smem:$0x3FD0];
	(tm) =	ssettm $0x1  }
0x91: {  	s18 =	sld [smem:$0x3FFB];
	_ =	sdelay $0x3  }
0x92: {  	_ =	strace s18  }
0x93: {  	s3 =	sld [smem:$0x3FFC];
	_ =	sdelay $0x3  }
0x94: {  	_ =	strace s3  }
0x95: {  	s3 =	sld [smem:$0x3FFD];
	_ =	sdelay $0x3  }
0x96: {  	_ =	strace s3  }
0x97: {  	_ =	strace $0x8FFFFFFF  }
0x98: {  	s19 =	sld [smem:$0x3FDB];
	_ =	sdelay $0x1  }
0x99: {  	s4 =	simm.s32 $_scs_section_size  }
0x9a: {  	s5 =	simm.s32 $_size__tile_overlayer_lowered;
	s6 =	simm.s32 $_tile_overlayer_lowered  }
0x9b: {  	s22 =	simm.s32 $0x1BFF;
	s21 =	sshll.u32 s6, $0x1;
	s3 =	sadd.s32 s4, s19  }
0x9c: {  	s7 =	simm.s32 $0x0;
	s20 =	sshll.u32 s5, $0x1;
	s5 =	sadd.s32 s21, s3  }
0x9d: {  	[timem:s7], [sflag:s22] =	dma.local [hbm:s5], s20  }
0x9e: {  	_ =	swait.ge [sflag:s22], s20  }
0x9f: {  	s4 =	ssub.s32 $0x0, s20;
	[sflag:s22] =	ssyncset.done $0x0  }
0xa0: {  	[sflag:s22] =	ssyncadd.s32 s4;
	_ =	sdelay $0x1  }
0xa1: {  	s23 =	simm.s32 $0x1B8B  }
0xa2: {  	_ =	swait.ge [sflag:s23], $0x1  }
0xa3: {  	[sflag:s23] =	ssyncset.done $0x0  }
0xa4: {  	s25 =	simm.s32 $0x1B8E;
	s24 =	sld [smem:$0x3FFE];
	[sflag:s23] =	ssyncadd.s32 $0xFFFFFFFF  }
0xa5: {  	s26 =	simm.s32 $execute0_lowered;
	[smem:$0x3FD2] =	sst s25  }
0xa6: {  	s5 =	sshll.u32 s26, $0x1;
	_ =	strace $0x80000046;
	[dreg:$0x1] =	wrdreg $0xFFFFFFFF  }
0xa7: {  	s28 =	simm.s32 $_size_execute0_lowered;
	s3 =	sadd.s32 s3, s5;
	[dreg:$0x0] =	wrdreg $0x0  }
0xa8: {  	s5 =	sshll.u32 s28, $0x1;
	[dreg:$0x2] =	wrdreg s3  }
0xa9: {  	[dreg:$0x3] =	wrdreg s5  }
0xaa: {  	[dreg:$0x4] =	wrdreg $0xC0  }
0xab: {  	_ =	task [dreg:s7], $0x5FFFF  }
0xac: {  	[dreg:$0x1] =	wrdreg $0xFFFFFFFF  }
0xad: {  	[dreg:$0x0] =	wrdreg $0x60  }
0xae: {  	[dreg:$0x2] =	wrdreg s24  }
0xaf: {  	[dreg:$0x3] =	wrdreg s2  }
0xb0: {  	[dreg:$0x4] =	wrdreg $0x9  }
0xb1: {  	_ =	task.clear_ibuf [dreg:s7], $0x5FFFF;
	_ =	strace $0x90000046  }
0xb2: {  	s29 =	simm.s32 $0x9;
	_ =	strace $0x80000048  }
0xb3: {  	_ =	swait.ge [sflag:s29], $0x1  }
0xb4: {  	[sflag:s29] =	ssyncadd.s32 $0xFFFFFFFF  }
0xb5: {  	_ =	strace $0x90000048  }
0xb6: {  	_ =	sfence  }
0xb7: {  	s30 =	sld [smem:$0x0];
	_ =	sdelay $0x2  }
0xb8: {  	s31 =	sshll.u32 s1, $0xD;
	s1 =	sshrl.u32 s1, $0x2  }
0xb9: {  	s3 =	sand.u32 $0x4000, s31;
	s1 =	sadd.s32 s1, s30  }
0xba: {  	s0 =	sor.u32 s3, s0;
	s1 =	sshll.u32 s1, $0x11  }
0xbb: {  	s0 =	sor.u32 s1, s0  }
0xbc: {  	s0 =	sadd.s32 $0x8F2B, s0  }
0xbd: {  	[sflag:s0] =	ssyncadd.remote.s32 $0x1  }
0xbe: {  	_ =	sfence.sel $0xFFFF  }
0xbf: {  	[dreg:$0x0] =	wrdreg $0xFFFFFFFF;
	(pc) =	sbr.abs _section_cstart, $3  }
0xc0: {  	[dreg:$0x1] =	wrdreg $0xFFFFFFFF  }
0xc1: {  	_ =	task.clear_ibuf [dreg:s7], $0x2FFFF;
	_ =	strace $0x9FFFFFFF  }
0xc2: {  	(tm) =	ssettm $0x7FFFFFFF  }
0xc3: {  	_ =	shalt  }
tec
execute0_lowered:
.L_overlay_start_1:
0x0: {  	(tag) =	ssettag $0x1  }
0x1: {  	s0 =	rddreg [dreg:$0x0];
	s1 =	srdreg.scid  }
0x2: {  	s5 =	stileid.u32;
	s4 =	rddreg [dreg:$0x1];
	s13 =	simm.s32 $0x1C00  }
0x3: {  	s30 =	simm.s32 $0x7C00;
	s12 =	simm.s32 $0x16800;
	s31 =	simm.s32 $0x16C00  }
0x4: {  	s14 =	simm.s32 $0x17400;
	s15 =	simm.s32 $0x17800;
	s16 =	simm.s32 $0x18000  }
0x5: {  	s17 =	simm.s32 $0x18400;
	s18 =	simm.s32 $0x18C00;
	s28 =	simm.s32 $0x3  }
0x6: {  	s29 =	simm.s32 $0x6;
	s1 =	sand.u32 $0x1, s1;
	s2 =	sshll.u32 s5, $0x1  }
0x7: {  	s5 =	sshrl.u32 s5, $0x3;
	s3 =	sor.u32 s1, s2;
	s2 =	simm.s32 $0x0  }
0x8: {  	s5 =	smul.u32 $0x1260000, s5;
	s1 =	ssub.s32 $0x2, s1;
	s6 =	sand.u32 $0xF, s3  }
0x9: {  	[smem:$0x7FF] =	sst s2;
	s7 =	smul.u32 $0x380, s3;
	s8 =	sshrl.u32 s1, $0x1  }
0xa: {  	s3 =	sadd.s32 $0x7600, s0;
	s6 =	smul.u32 $0x126000, s6;
	s1 =	ssub.s32 s1, s8  }
0xb: {  	_ =	strace $0x80000047;
	s19 =	sadd.s32 s7, s0;
	s21 =	smax.u32 s1, $0x1  }
0xc: {  	s1 =	simm.s32 $0xDC00;
	s7 =	simm.s32 $0x0;
	s9 =	sadd.s32 s6, s5  }
0xd: {  	s5 =	sadd.s32 $0x600, s19;
	[dreg:$0x5] =	wrdreg s21;
	s19 =	simm.s32 $0x19000  }
0xe: {  	s21 =	simm.s32 $0x2;
	s6 =	sshrl.u32 s9, $0x3;
	[dreg:$0x3] =	wrdreg s5  }
0xf: {  	s5 =	sadd.s32 $0x7700, s0;
	s22 =	sor.u32 $0x1800, s9;
	s23 =	sadd.s32 $0x2400, s9  }
0x10: {  	s24 =	sor.u32 $0xC00, s9;
	s6 =	sadd.s32 s6, s4;
	s0 =	sshrl.u32 s22, $0x3  }
.Ltmp0:
0x11: {  	s25 =	sshrl.u32 s23, $0x3;
	s26 =	sshrl.u32 s24, $0x3;
	(pc) =	sbr.rel .LBB2_1-.Ltmp0, $4  }
0x12: {  	s23 =	simm.s32 $0x1;
	s24 =	simm.s32 $0xC00;
	s22 =	simm.s32 $0x5  }
0x13: {  	v2 =	vlaneseq.u32;
	s20 =	sadd.s32 $0x4800, s6;
	s9 =	sadd.s32 s0, s4;
	s10 =	sadd.s32 s25, s4  }
0x14: {  	vm0 =	vmmov $0xffff;
	vm1 =	vmmov $0xff;
	v1 =	vshrl.u32 v2, $0x3;
	s11 =	sadd.s32 s26, s4;
	s25 =	simm.s32 $0x24C00;
	s26 =	simm.s32 $0x13C00  }
0x15: {  	v0 =	vand.u32 $0x7, v2;
	v2 =	vor.u32 $0x8, v2;
	v1 =	vmul.u32 $0x8, v1;
	s0 =	simm.s32 $0x4;
	[dreg:$0x4] =	wrdreg s20;
	s20 =	simm.s32 $0x19800  }
.LBB2_5:
0x16: {  	s4 =	simm.s32 $0x7  }
0x17: {  	_ =	swait.ge [sflag:s4], $0x6000  }
0x18: {  	[sflag:s4] =	ssyncset.done $0x0  }
0x19: {  	[sflag:s4] =	ssyncadd.s32 $0xFFFFA000  }
0x1a: {  	_ =	swait.ge [sflag:s23], $0x6000  }
0x1b: {  	[sflag:s23] =	ssyncset.done $0x0  }
0x1c: {  	s7 =	simm.s32 $0x8;
	s8 =	rddreg [dreg:$0x4];
	[sflag:s23] =	ssyncadd.s32 $0xFFFFA000  }
0x1d: {  	[hbm4b:s8+s24] =	stream.strided.scatter [tilespmem:s13], [sflag:$0x5], $0x6000, s25, s24, $0x38;
	[tilespmem:$0x19C00] =	vst v63  }
0x1e: {  	_ =	swait.ge [sflag:s7], $0x6000  }
0x1f: {  	[sflag:s7] =	ssyncset.done $0x0  }
0x20: {  	[sflag:s7] =	ssyncadd.s32 $0xFFFFA000  }
0x21: {  	_ =	swait.ge [sflag:s22], $0x6000  }
0x22: {  	s7 =	rddreg [dreg:$0x6]  }
0x23: {  	s8 =	rddreg [dreg:$0x5];
	s7 =	sadd.s32 $0x1, s7  }
0x24: {  	p0 =	sne.s32 s7, s8  }
.Ltmp1:
0x25: {  	_ = 	snop;
	(pc) =	sbr.rel @!p0 .LBB2_6-.Ltmp1, $3  }
0x26: {  	_ =	sdelay $0x1  }
0x27: {  	[sflag:s22] =	ssyncset.done $0x0  }
0x28: {  	[sflag:s22] =	ssyncadd.s32 $0xFFFFA000  }
.LBB2_1:
0x29: {  	[dreg:$0x6] =	wrdreg s7  }
0x2a: {  	s4 =	rddreg [dreg:$0x3];
	s8 =	simm.s32 $0x9  }
0x2b: {  	[tilespmem:s2], [sflag:$0x9] =	stream.linear.gather [hbm4b:s4+s2], $0x1880, $0x38;
	[tilespmem:$0x19C00] =	vst v63  }
0x2c: {  	_ =	swait.ge [sflag:s8], $0x1880  }
0x2d: {  	[sflag:s8] =	ssyncset.done $0x0  }
0x2e: {  	[sflag:s8] =	ssyncadd.s32 $0xFFFFE780  }
0x2f: {  	v3 =	vld [tilespmem:$0x0];
	_ =	sdelay $0x4  }
0x30: {  	v4 =	vshrl.u32 v3, $0x3  }
0x31: {  	v4 =	vmul.u32 $0x18, v4  }
0x32: {  	v3 =	vand.u32 $0x7, v3  }
0x33: {  	v3 =	vor.u32 v3, v4  }
0x34: {  	v4 =	vperm.xlane v3, v0;
	_ =	sdelay $0x1  }
0x35: {  	v4 =	vadd.s32 v1, v4;
	_ =	sdelay $0x1  }
0x36: {  	v3 =	vperm.xlane v3, v2;
	_ =	sdelay $0x1  }
0x37: {  	v3 =	vadd.s32 v1, v3  }
0x38: {  	[tilespmem:s13], [sflag:$0x1] =	stream.indirect_vreg.gather [hbm4b:s3+s2], $0x80, v4, vm0, $0xb8;
	[tilespmem:$0x19C00] =	vst v63  }
0x39: {  	s7 =	simm.s32 $0x2400  }
0x3a: {  	[tilespmem:s7], [sflag:$0x1] =	stream.indirect_vreg.gather [hbm4b:s5+s2], $0x80, v4, vm1, $0xb8;
	[tilespmem:$0x19C00] =	vst v63  }
0x3b: {  	s8 =	simm.s32 $0x2800  }
0x3c: {  	[tilespmem:s8], [sflag:$0x1] =	stream.indirect_vreg.gather [hbm4b:s3+s2], $0x80, v3, vm0, $0xb8;
	[tilespmem:$0x19C00] =	vst v63  }
0x3d: {  	s7 =	simm.s32 $0x3000  }
0x3e: {  	[tilespmem:s7], [sflag:$0x1] =	stream.indirect_vreg.gather [hbm4b:s5+s2], $0x80, v3, vm1, $0xb8;
	[tilespmem:$0x19C00] =	vst v63  }
0x3f: {  	v3 =	vld [tilespmem:$0x10];
	_ =	sdelay $0x4  }
0x40: {  	v57 =	vshrl.u32 v3, $0x3  }
0x41: {  	v4 =	vmul.u32 $0x18, v57  }
0x42: {  	v3 =	vand.u32 $0x7, v3  }
0x43: {  	v3 =	vor.u32 v3, v4  }
0x44: {  	v4 =	vperm.xlane v3, v0;
	_ =	sdelay $0x1  }
0x45: {  	v4 =	vadd.s32 v1, v4;
	_ =	sdelay $0x1  }
0x46: {  	v3 =	vperm.xlane v3, v2;
	_ =	sdelay $0x1  }
0x47: {  	s8 =	simm.s32 $0x3400;
	v3 =	vadd.s32 v1, v3  }
0x48: {  	[tilespmem:s8], [sflag:$0x1] =	stream.indirect_vreg.gather [hbm4b:s3+s2], $0x80, v4, vm0, $0xb8;
	[tilespmem:$0x19C00] =	vst v63  }
0x49: {  	s7 =	simm.s32 $0x3C00  }
0x4a: {  	[tilespmem:s7], [sflag:$0x1] =	stream.indirect_vreg.gather [hbm4b:s5+s2], $0x80, v4, vm1, $0xb8;
	[tilespmem:$0x19C00] =	vst v63  }
0x4b: {  	s8 =	simm.s32 $0x4000  }
0x4c: {  	[tilespmem:s8], [sflag:$0x1] =	stream.indirect_vreg.gather [hbm4b:s3+s2], $0x80, v3, vm0, $0xb8;
	[tilespmem:$0x19C00] =	vst v63  }
0x4d: {  	s7 =	simm.s32 $0x4800  }
0x4e: {  	[tilespmem:s7], [sflag:$0x1] =	stream.indirect_vreg.gather [hbm4b:s5+s2], $0x80, v3, vm1, $0xb8;
	[tilespmem:$0x19C00] =	vst v63  }
0x4f: {  	v3 =	vld [tilespmem:$0x20];
	_ =	sdelay $0x4  }
0x50: {  	v58 =	vshrl.u32 v3, $0x3  }
0x51: {  	v4 =	vmul.u32 $0x18, v58  }
0x52: {  	v3 =	vand.u32 $0x7, v3  }
0x53: {  	v3 =	vor.u32 v3, v4  }
0x54: {  	v4 =	vperm.xlane v3, v0;
	_ =	sdelay $0x1  }
0x55: {  	v4 =	vadd.s32 v1, v4;
	_ =	sdelay $0x1  }
0x56: {  	v3 =	vperm.xlane v3, v2;
	_ =	sdelay $0x1  }
0x57: {  	s8 =	simm.s32 $0x4C00;
	v3 =	vadd.s32 v1, v3  }
0x58: {  	[tilespmem:s8], [sflag:$0x1] =	stream.indirect_vreg.gather [hbm4b:s3+s2], $0x80, v4, vm0, $0xb8;
	[tilespmem:$0x19C00] =	vst v63  }
0x59: {  	s7 =	simm.s32 $0x5400  }
0x5a: {  	[tilespmem:s7], [sflag:$0x1] =	stream.indirect_vreg.gather [hbm4b:s5+s2], $0x80, v4, vm1, $0xb8;
	[tilespmem:$0x19C00] =	vst v63  }
0x5b: {  	s8 =	simm.s32 $0x5800  }
0x5c: {  	[tilespmem:s8], [sflag:$0x1] =	stream.indirect_vreg.gather [hbm4b:s3+s2], $0x80, v3, vm0, $0xb8;
	[tilespmem:$0x19C00] =	vst v63  }
0x5d: {  	s7 =	simm.s32 $0x6000  }
0x5e: {  	[tilespmem:s7], [sflag:$0x1] =	stream.indirect_vreg.gather [hbm4b:s5+s2], $0x80, v3, vm1, $0xb8;
	[tilespmem:$0x19C00] =	vst v63  }
0x5f: {  	v3 =	vld [tilespmem:$0x30];
	_ =	sdelay $0x4  }
0x60: {  	v59 =	vshrl.u32 v3, $0x3  }
0x61: {  	v4 =	vmul.u32 $0x18, v59  }
0x62: {  	v3 =	vand.u32 $0x7, v3  }
0x63: {  	v3 =	vor.u32 v3, v4  }
0x64: {  	v4 =	vperm.xlane v3, v0;
	_ =	sdelay $0x1  }
0x65: {  	v4 =	vadd.s32 v1, v4;
	_ =	sdelay $0x1  }
0x66: {  	v3 =	vperm.xlane v3, v2;
	_ =	sdelay $0x1  }
0x67: {  	s8 =	simm.s32 $0x6400;
	v3 =	vadd.s32 v1, v3  }
0x68: {  	[tilespmem:s8], [sflag:$0x1] =	stream.indirect_vreg.gather [hbm4b:s3+s2], $0x80, v4, vm0, $0xb8;
	[tilespmem:$0x19C00] =	vst v63  }
0x69: {  	s7 =	simm.s32 $0x6C00  }
0x6a: {  	[tilespmem:s7], [sflag:$0x1] =	stream.indirect_vreg.gather [hbm4b:s5+s2], $0x80, v4, vm1, $0xb8;
	[tilespmem:$0x19C00] =	vst v63  }
0x6b: {  	s8 =	simm.s32 $0x7000  }
0x6c: {  	[tilespmem:s8], [sflag:$0x1] =	stream.indirect_vreg.gather [hbm4b:s3+s2], $0x80, v3, vm0, $0xb8;
	[tilespmem:$0x19C00] =	vst v63  }
0x6d: {  	s7 =	simm.s32 $0x7800  }
0x6e: {  	[tilespmem:s7], [sflag:$0x1] =	stream.indirect_vreg.gather [hbm4b:s5+s2], $0x80, v3, vm1, $0xb8;
	[tilespmem:$0x19C00] =	vst v63  }
0x6f: {  	v3 =	vld [tilespmem:$0x80];
	_ =	sdelay $0x4  }
0x70: {  	v60 =	vshrl.u32 v3, $0x3  }
0x71: {  	v4 =	vmul.u32 $0x18, v60  }
0x72: {  	v3 =	vand.u32 $0x7, v3  }
0x73: {  	v3 =	vor.u32 v3, v4  }
0x74: {  	v4 =	vperm.xlane v3, v0;
	_ =	sdelay $0x1  }
0x75: {  	v4 =	vadd.s32 v1, v4;
	_ =	sdelay $0x1  }
0x76: {  	v3 =	vperm.xlane v3, v2;
	_ =	sdelay $0x1  }
0x77: {  	v3 =	vadd.s32 v1, v3  }
0x78: {  	[tilespmem:s30], [sflag:$0x2] =	stream.indirect_vreg.gather [hbm4b:s3+s2], $0x80, v4, vm0, $0xb8;
	[tilespmem:$0x19C00] =	vst v63  }
0x79: {  	s8 =	simm.s32 $0x8400  }
0x7a: {  	[tilespmem:s8], [sflag:$0x2] =	stream.indirect_vreg.gather [hbm4b:s5+s2], $0x80, v4, vm1, $0xb8;
	[tilespmem:$0x19C00] =	vst v63  }
0x7b: {  	s7 =	simm.s32 $0x8800  }
0x7c: {  	[tilespmem:s7], [sflag:$0x2] =	stream.indirect_vreg.gather [hbm4b:s3+s2], $0x80, v3, vm0, $0xb8;
	[tilespmem:$0x19C00] =	vst v63  }
0x7d: {  	s8 =	simm.s32 $0x9000  }
0x7e: {  	[tilespmem:s8], [sflag:$0x2] =	stream.indirect_vreg.gather [hbm4b:s5+s2], $0x80, v3, vm1, $0xb8;
	[tilespmem:$0x19C00] =	vst v63  }
0x7f: {  	v3 =	vld [tilespmem:$0x90];
	_ =	sdelay $0x4  }
0x80: {  	v61 =	vshrl.u32 v3, $0x3  }
0x81: {  	v4 =	vmul.u32 $0x18, v61  }
0x82: {  	v3 =	vand.u32 $0x7, v3  }
0x83: {  	v3 =	vor.u32 v3, v4  }
0x84: {  	v4 =	vperm.xlane v3, v0;
	_ =	sdelay $0x1  }
0x85: {  	v4 =	vadd.s32 v1, v4;
	_ =	sdelay $0x1  }
0x86: {  	v3 =	vperm.xlane v3, v2;
	_ =	sdelay $0x1  }
0x87: {  	s7 =	simm.s32 $0x9400;
	v3 =	vadd.s32 v1, v3  }
0x88: {  	[tilespmem:s7], [sflag:$0x2] =	stream.indirect_vreg.gather [hbm4b:s3+s2], $0x80, v4, vm0, $0xb8;
	[tilespmem:$0x19C00] =	vst v63  }
0x89: {  	s8 =	simm.s32 $0x9C00  }
0x8a: {  	[tilespmem:s8], [sflag:$0x2] =	stream.indirect_vreg.gather [hbm4b:s5+s2], $0x80, v4, vm1, $0xb8;
	[tilespmem:$0x19C00] =	vst v63  }
0x8b: {  	s7 =	simm.s32 $0xA000  }
0x8c: {  	[tilespmem:s7], [sflag:$0x2] =	stream.indirect_vreg.gather [hbm4b:s3+s2], $0x80, v3, vm0, $0xb8;
	[tilespmem:$0x19C00] =	vst v63  }
0x8d: {  	s8 =	simm.s32 $0xA800  }
0x8e: {  	[tilespmem:s8], [sflag:$0x2] =	stream.indirect_vreg.gather [hbm4b:s5+s2], $0x80, v3, vm1, $0xb8;
	[tilespmem:$0x19C00] =	vst v63  }
0x8f: {  	v3 =	vld [tilespmem:$0xA0];
	_ =	sdelay $0x4  }
0x90: {  	v62 =	vshrl.u32 v3, $0x3  }
0x91: {  	v4 =	vmul.u32 $0x18, v62  }
0x92: {  	v3 =	vand.u32 $0x7, v3  }
0x93: {  	v3 =	vor.u32 v3, v4  }
0x94: {  	v4 =	vperm.xlane v3, v0;
	_ =	sdelay $0x1  }
0x95: {  	v4 =	vadd.s32 v1, v4;
	_ =	sdelay $0x1  }
0x96: {  	v3 =	vperm.xlane v3, v2;
	_ =	sdelay $0x1  }
0x97: {  	s7 =	simm.s32 $0xAC00;
	v3 =	vadd.s32 v1, v3  }
0x98: {  	[tilespmem:s7], [sflag:$0x2] =	stream.indirect_vreg.gather [hbm4b:s3+s2], $0x80, v4, vm0, $0xb8;
	[tilespmem:$0x19C00] =	vst v63  }
0x99: {  	s8 =	simm.s32 $0xB400  }
0x9a: {  	[tilespmem:s8], [sflag:$0x2] =	stream.indirect_vreg.gather [hbm4b:s5+s2], $0x80, v4, vm1, $0xb8;
	[tilespmem:$0x19C00] =	vst v63  }
0x9b: {  	s7 =	simm.s32 $0xB800  }
0x9c: {  	[tilespmem:s7], [sflag:$0x2] =	stream.indirect_vreg.gather [hbm4b:s3+s2], $0x80, v3, vm0, $0xb8;
	[tilespmem:$0x19C00] =	vst v63  }
0x9d: {  	s8 =	simm.s32 $0xC000  }
0x9e: {  	[tilespmem:s8], [sflag:$0x2] =	stream.indirect_vreg.gather [hbm4b:s5+s2], $0x80, v3, vm1, $0xb8;
	[tilespmem:$0x19C00] =	vst v63  }
0x9f: {  	v3 =	vld [tilespmem:$0xB0];
	_ =	sdelay $0x4  }
0xa0: {  	v63 =	vshrl.u32 v3, $0x3  }
0xa1: {  	v4 =	vmul.u32 $0x18, v63  }
0xa2: {  	v3 =	vand.u32 $0x7, v3  }
0xa3: {  	v3 =	vor.u32 v3, v4  }
0xa4: {  	v4 =	vperm.xlane v3, v0;
	_ =	sdelay $0x1  }
0xa5: {  	v4 =	vadd.s32 v1, v4;
	_ =	sdelay $0x2  }
0xa6: {  	v3 =	vperm.xlane v3, v2  }
0xa7: {  	s7 =	simm.s32 $0xC400  }
0xa8: {  	v3 =	vadd.s32 v1, v3;
	[tilespmem:s7], [sflag:$0x2] =	stream.indirect_vreg.gather [hbm4b:s3+s2], $0x80, v4, vm0, $0xb8;
	[tilespmem:$0x19C00] =	vst v63  }
0xa9: {  	s8 =	simm.s32 $0xCC00  }
0xaa: {  	[tilespmem:s8], [sflag:$0x2] =	stream.indirect_vreg.gather [hbm4b:s5+s2], $0x80, v4, vm1, $0xb8;
	[tilespmem:$0x19C00] =	vst v63  }
.Ltmp2:
0xab: {  	_ = 	snop;
	(pc) =	sbr.rel .LBB2_2-.Ltmp2, $4  }
0xac: {  	s7 =	simm.s32 $0xD000  }
0xad: {  	[tilespmem:s7], [sflag:$0x2] =	stream.indirect_vreg.gather [hbm4b:s3+s2], $0x80, v3, vm0, $0xb8;
	[tilespmem:$0x19C00] =	vst v63  }
0xae: {  	s4 =	simm.s32 $0x180;
	s8 =	simm.s32 $0xD800;
	s7 =	simm.s32 $0x0  }
0xaf: {  	[tilespmem:s8], [sflag:$0x2] =	stream.indirect_vreg.gather [hbm4b:s5+s2], $0x80, v3, vm1, $0xb8;
	[tilespmem:$0x19C00] =	vst v63  }
.LBB2_4:
0xb0: {  	s8 =	sadd.s32 s7, s10;
	s7 =	sadd.s32 $0x600, s7  }
0xb1: {  	p0 =	sne.s32 s7, $0x4800  }
.Ltmp3:
0xb2: {  	_ = 	snop;
	(pc) =	sbr.rel @!p0 .LBB2_5-.Ltmp3, $4  }
0xb3: {  	_ =	swait.ge [sflag:s0], $0x6000  }
0xb4: {  	[sflag:s0] =	ssyncset.done $0x0  }
0xb5: {  	s4 =	sadd.s32 $0x200, s4;
	[sflag:s0] =	ssyncadd.s32 $0xFFFFA000  }
0xb6: {  	[hbm4b:s8+s24] =	stream.strided.scatter [tilespmem:s26], [sflag:$0x8], $0x6000, s25, s24, $0x38;
	[tilespmem:$0x19C00] =	vst v63  }
.LBB2_2:
0xb7: {  	p0 =	seq.s32 s7, $0x0  }
0xb8: {  	s8 =	simm.s32 @!p0 $0x7  }
0xb9: {  	_ =	swait.ge @!p0 [sflag:s8], $0x6000  }
0xba: {  	[sflag:s8] =	ssyncset.done @!p0 $0x0  }
0xbb: {  	[sflag:s8] =	ssyncadd.s32 @!p0 $0xFFFFA000  }
0xbc: {  	v3 =	vld [tilespmem:s4+$0xFFFFFF80];
	_ =	sdelay $0x4  }
0xbd: {  	v4 =	vshrl.u32 v3, $0x3  }
0xbe: {  	v4 =	vmul.u32 $0x18, v4  }
0xbf: {  	v3 =	vand.u32 $0x7, v3  }
0xc0: {  	v3 =	vor.u32 v3, v4  }
0xc1: {  	v4 =	vperm.xlane v3, v0;
	_ =	sdelay $0x1  }
0xc2: {  	v4 =	vadd.s32 v1, v4;
	_ =	sdelay $0x1  }
0xc3: {  	v3 =	vperm.xlane v3, v2;
	_ =	sdelay $0x1  }
0xc4: {  	v3 =	vadd.s32 v1, v3  }
0xc5: {  	[tilespmem:s1], [sflag:$0x3] =	stream.indirect_vreg.gather [hbm4b:s3+s2], $0x80, v4, vm0, $0xb8;
	[tilespmem:$0x19C00] =	vst v63  }
0xc6: {  	s8 =	simm.s32 $0xE400  }
0xc7: {  	[tilespmem:s8], [sflag:$0x3] =	stream.indirect_vreg.gather [hbm4b:s5+s2], $0x80, v4, vm1, $0xb8;
	[tilespmem:$0x19C00] =	vst v63  }
0xc8: {  	s8 =	simm.s32 $0xE800  }
0xc9: {  	[tilespmem:s8], [sflag:$0x3] =	stream.indirect_vreg.gather [hbm4b:s3+s2], $0x80, v3, vm0, $0xb8;
	[tilespmem:$0x19C00] =	vst v63  }
0xca: {  	s8 =	simm.s32 $0xF000  }
0xcb: {  	[tilespmem:s8], [sflag:$0x3] =	stream.indirect_vreg.gather [hbm4b:s5+s2], $0x80, v3, vm1, $0xb8;
	[tilespmem:$0x19C00] =	vst v63  }
0xcc: {  	v3 =	vld [tilespmem:s4+$0xFFFFFF90];
	_ =	sdelay $0x4  }
0xcd: {  	v53 =	vshrl.u32 v3, $0x3  }
0xce: {  	v4 =	vmul.u32 $0x18, v53  }
0xcf: {  	v3 =	vand.u32 $0x7, v3  }
0xd0: {  	v3 =	vor.u32 v3, v4  }
0xd1: {  	v4 =	vperm.xlane v3, v0;
	_ =	sdelay $0x1  }
0xd2: {  	v4 =	vadd.s32 v1, v4;
	_ =	sdelay $0x1  }
0xd3: {  	v3 =	vperm.xlane v3, v2;
	_ =	sdelay $0x1  }
0xd4: {  	s8 =	simm.s32 $0xF400;
	v3 =	vadd.s32 v1, v3  }
0xd5: {  	[tilespmem:s8], [sflag:$0x3] =	stream.indirect_vreg.gather [hbm4b:s3+s2], $0x80, v4, vm0, $0xb8;
	[tilespmem:$0x19C00] =	vst v63  }
0xd6: {  	s8 =	simm.s32 $0xFC00  }
0xd7: {  	[tilespmem:s8], [sflag:$0x3] =	stream.indirect_vreg.gather [hbm4b:s5+s2], $0x80, v4, vm1, $0xb8;
	[tilespmem:$0x19C00] =	vst v63  }
0xd8: {  	s8 =	simm.s32 $0x10000  }
0xd9: {  	[tilespmem:s8], [sflag:$0x3] =	stream.indirect_vreg.gather [hbm4b:s3+s2], $0x80, v3, vm0, $0xb8;
	[tilespmem:$0x19C00] =	vst v63  }
0xda: {  	s8 =	simm.s32 $0x10800  }
0xdb: {  	[tilespmem:s8], [sflag:$0x3] =	stream.indirect_vreg.gather [hbm4b:s5+s2], $0x80, v3, vm1, $0xb8;
	[tilespmem:$0x19C00] =	vst v63  }
0xdc: {  	v3 =	vld [tilespmem:s4+$0xFFFFFFA0];
	_ =	sdelay $0x4  }
0xdd: {  	v54 =	vshrl.u32 v3, $0x3  }
0xde: {  	v4 =	vmul.u32 $0x18, v54  }
0xdf: {  	v3 =	vand.u32 $0x7, v3  }
0xe0: {  	v3 =	vor.u32 v3, v4  }
0xe1: {  	v4 =	vperm.xlane v3, v0;
	_ =	sdelay $0x1  }
0xe2: {  	v4 =	vadd.s32 v1, v4;
	_ =	sdelay $0x1  }
0xe3: {  	v3 =	vperm.xlane v3, v2;
	_ =	sdelay $0x1  }
0xe4: {  	s8 =	simm.s32 $0x10C00;
	v3 =	vadd.s32 v1, v3  }
0xe5: {  	[tilespmem:s8], [sflag:$0x3] =	stream.indirect_vreg.gather [hbm4b:s3+s2], $0x80, v4, vm0, $0xb8;
	[tilespmem:$0x19C00] =	vst v63  }
0xe6: {  	s8 =	simm.s32 $0x11400  }
0xe7: {  	[tilespmem:s8], [sflag:$0x3] =	stream.indirect_vreg.gather [hbm4b:s5+s2], $0x80, v4, vm1, $0xb8;
	[tilespmem:$0x19C00] =	vst v63  }
0xe8: {  	s8 =	simm.s32 $0x11800  }
0xe9: {  	[tilespmem:s8], [sflag:$0x3] =	stream.indirect_vreg.gather [hbm4b:s3+s2], $0x80, v3, vm0, $0xb8;
	[tilespmem:$0x19C00] =	vst v63  }
0xea: {  	s8 =	simm.s32 $0x12000  }
0xeb: {  	[tilespmem:s8], [sflag:$0x3] =	stream.indirect_vreg.gather [hbm4b:s5+s2], $0x80, v3, vm1, $0xb8;
	[tilespmem:$0x19C00] =	vst v63  }
0xec: {  	v3 =	vld [tilespmem:s4+$0xFFFFFFB0];
	_ =	sdelay $0x4  }
0xed: {  	v55 =	vshrl.u32 v3, $0x3  }
0xee: {  	v4 =	vmul.u32 $0x18, v55  }
0xef: {  	v3 =	vand.u32 $0x7, v3  }
0xf0: {  	v3 =	vor.u32 v3, v4  }
0xf1: {  	v4 =	vperm.xlane v3, v0;
	_ =	sdelay $0x1  }
0xf2: {  	v4 =	vadd.s32 v1, v4;
	_ =	sdelay $0x1  }
0xf3: {  	v3 =	vperm.xlane v3, v2;
	_ =	sdelay $0x1  }
0xf4: {  	s8 =	simm.s32 $0x12400;
	v3 =	vadd.s32 v1, v3  }
0xf5: {  	[tilespmem:s8], [sflag:$0x3] =	stream.indirect_vreg.gather [hbm4b:s3+s2], $0x80, v4, vm0, $0xb8;
	[tilespmem:$0x19C00] =	vst v63  }
0xf6: {  	s8 =	simm.s32 $0x12C00  }
0xf7: {  	[tilespmem:s8], [sflag:$0x3] =	stream.indirect_vreg.gather [hbm4b:s5+s2], $0x80, v4, vm1, $0xb8;
	[tilespmem:$0x19C00] =	vst v63  }
0xf8: {  	s8 =	simm.s32 $0x13000  }
0xf9: {  	[tilespmem:s8], [sflag:$0x3] =	stream.indirect_vreg.gather [hbm4b:s3+s2], $0x80, v3, vm0, $0xb8;
	[tilespmem:$0x19C00] =	vst v63  }
0xfa: {  	s8 =	simm.s32 $0x13800  }
0xfb: {  	[tilespmem:s8], [sflag:$0x3] =	stream.indirect_vreg.gather [hbm4b:s5+s2], $0x80, v3, vm1, $0xb8;
	[tilespmem:$0x19C00] =	vst v63  }
0xfc: {  	_ =	swait.ge [sflag:s23], $0x6000  }
0xfd: {  	[sflag:s23] =	ssyncset.done $0x0  }
0xfe: {  	s8 =	sadd.s32 s7, s6;
	[sflag:s23] =	ssyncadd.s32 $0xFFFFA000  }
0xff: {  	[hbm4b:s8+s24] =	stream.strided.scatter [tilespmem:s13], [sflag:$0x5], $0x6000, s25, s24, $0x38;
	[tilespmem:$0x19C00] =	vst v63  }
0x100: {  	s8 =	simm.s32 @!p0 $0x8  }
0x101: {  	_ =	swait.ge @!p0 [sflag:s8], $0x6000  }
0x102: {  	[sflag:s8] =	ssyncset.done @!p0 $0x0  }
0x103: {  	[sflag:s8] =	ssyncadd.s32 @!p0 $0xFFFFA000  }
0x104: {  	v3 =	vld [tilespmem:s4+$0x0];
	_ =	sdelay $0x4  }
0x105: {  	v56 =	vshrl.u32 v3, $0x3  }
0x106: {  	v4 =	vmul.u32 $0x18, v56  }
0x107: {  	v3 =	vand.u32 $0x7, v3  }
0x108: {  	v3 =	vor.u32 v3, v4  }
0x109: {  	v4 =	vperm.xlane v3, v0;
	_ =	sdelay $0x1  }
0x10a: {  	v4 =	vadd.s32 v1, v4;
	_ =	sdelay $0x1  }
0x10b: {  	v3 =	vperm.xlane v3, v2;
	_ =	sdelay $0x1  }
0x10c: {  	v3 =	vadd.s32 v1, v3  }
0x10d: {  	[tilespmem:s26], [sflag:$0x4] =	stream.indirect_vreg.gather [hbm4b:s3+s2], $0x80, v4, vm0, $0xb8;
	[tilespmem:$0x19C00] =	vst v63  }
0x10e: {  	s8 =	simm.s32 $0x14400  }
0x10f: {  	[tilespmem:s8], [sflag:$0x4] =	stream.indirect_vreg.gather [hbm4b:s5+s2], $0x80, v4, vm1, $0xb8;
	[tilespmem:$0x19C00] =	vst v63  }
0x110: {  	s8 =	simm.s32 $0x14800  }
0x111: {  	[tilespmem:s8], [sflag:$0x4] =	stream.indirect_vreg.gather [hbm4b:s3+s2], $0x80, v3, vm0, $0xb8;
	[tilespmem:$0x19C00] =	vst v63  }
0x112: {  	s8 =	simm.s32 $0x15000  }
0x113: {  	[tilespmem:s8], [sflag:$0x4] =	stream.indirect_vreg.gather [hbm4b:s5+s2], $0x80, v3, vm1, $0xb8;
	[tilespmem:$0x19C00] =	vst v63  }
0x114: {  	v3 =	vld [tilespmem:s4+$0x10];
	_ =	sdelay $0x4  }
0x115: {  	v57 =	vshrl.u32 v3, $0x3  }
0x116: {  	v4 =	vmul.u32 $0x18, v57  }
0x117: {  	v3 =	vand.u32 $0x7, v3  }
0x118: {  	v3 =	vor.u32 v3, v4  }
0x119: {  	v4 =	vperm.xlane v3, v0;
	_ =	sdelay $0x1  }
0x11a: {  	v4 =	vadd.s32 v1, v4;
	_ =	sdelay $0x1  }
0x11b: {  	v3 =	vperm.xlane v3, v2;
	_ =	sdelay $0x1  }
0x11c: {  	s8 =	simm.s32 $0x15400;
	v3 =	vadd.s32 v1, v3  }
0x11d: {  	[tilespmem:s8], [sflag:$0x4] =	stream.indirect_vreg.gather [hbm4b:s3+s2], $0x80, v4, vm0, $0xb8;
	[tilespmem:$0x19C00] =	vst v63  }
0x11e: {  	s8 =	simm.s32 $0x15C00  }
0x11f: {  	[tilespmem:s8], [sflag:$0x4] =	stream.indirect_vreg.gather [hbm4b:s5+s2], $0x80, v4, vm1, $0xb8;
	[tilespmem:$0x19C00] =	vst v63  }
0x120: {  	s8 =	simm.s32 $0x16000  }
0x121: {  	[tilespmem:s8], [sflag:$0x4] =	stream.indirect_vreg.gather [hbm4b:s3+s2], $0x80, v3, vm0, $0xb8;
	[tilespmem:$0x19C00] =	vst v63  }
0x122: {  	_ = 	snop  }
0x123: {  	[tilespmem:s12], [sflag:$0x4] =	stream.indirect_vreg.gather [hbm4b:s5+s2], $0x80, v3, vm1, $0xb8;
	[tilespmem:$0x19C00] =	vst v63  }
0x124: {  	v3 =	vld [tilespmem:s4+$0x20];
	_ =	sdelay $0x4  }
0x125: {  	v58 =	vshrl.u32 v3, $0x3  }
0x126: {  	v4 =	vmul.u32 $0x18, v58  }
0x127: {  	v3 =	vand.u32 $0x7, v3  }
0x128: {  	v3 =	vor.u32 v3, v4  }
0x129: {  	v4 =	vperm.xlane v3, v0;
	_ =	sdelay $0x1  }
0x12a: {  	v4 =	vadd.s32 v1, v4;
	_ =	sdelay $0x1  }
0x12b: {  	v3 =	vperm.xlane v3, v2;
	_ =	sdelay $0x1  }
0x12c: {  	v3 =	vadd.s32 v1, v3  }
0x12d: {  	[tilespmem:s31], [sflag:$0x4] =	stream.indirect_vreg.gather [hbm4b:s3+s2], $0x80, v4, vm0, $0xb8;
	[tilespmem:$0x19C00] =	vst v63  }
0x12e: {  	_ = 	snop  }
0x12f: {  	[tilespmem:s14], [sflag:$0x4] =	stream.indirect_vreg.gather [hbm4b:s5+s2], $0x80, v4, vm1, $0xb8;
	[tilespmem:$0x19C00] =	vst v63  }
0x130: {  	_ = 	snop  }
0x131: {  	[tilespmem:s15], [sflag:$0x4] =	stream.indirect_vreg.gather [hbm4b:s3+s2], $0x80, v3, vm0, $0xb8;
	[tilespmem:$0x19C00] =	vst v63  }
0x132: {  	_ = 	snop  }
0x133: {  	[tilespmem:s16], [sflag:$0x4] =	stream.indirect_vreg.gather [hbm4b:s5+s2], $0x80, v3, vm1, $0xb8;
	[tilespmem:$0x19C00] =	vst v63  }
0x134: {  	v3 =	vld [tilespmem:s4+$0x30];
	_ =	sdelay $0x4  }
0x135: {  	v59 =	vshrl.u32 v3, $0x3  }
0x136: {  	v4 =	vmul.u32 $0x18, v59  }
0x137: {  	v3 =	vand.u32 $0x7, v3  }
0x138: {  	v3 =	vor.u32 v3, v4  }
0x139: {  	v4 =	vperm.xlane v3, v0;
	_ =	sdelay $0x1  }
0x13a: {  	v4 =	vadd.s32 v1, v4;
	_ =	sdelay $0x1  }
0x13b: {  	v3 =	vperm.xlane v3, v2;
	_ =	sdelay $0x1  }
0x13c: {  	v3 =	vadd.s32 v1, v3  }
0x13d: {  	[tilespmem:s17], [sflag:$0x4] =	stream.indirect_vreg.gather [hbm4b:s3+s2], $0x80, v4, vm0, $0xb8;
	[tilespmem:$0x19C00] =	vst v63  }
0x13e: {  	_ = 	snop  }
0x13f: {  	[tilespmem:s18], [sflag:$0x4] =	stream.indirect_vreg.gather [hbm4b:s5+s2], $0x80, v4, vm1, $0xb8;
	[tilespmem:$0x19C00] =	vst v63  }
0x140: {  	_ = 	snop  }
0x141: {  	[tilespmem:s19], [sflag:$0x4] =	stream.indirect_vreg.gather [hbm4b:s3+s2], $0x80, v3, vm0, $0xb8;
	[tilespmem:$0x19C00] =	vst v63  }
0x142: {  	_ = 	snop  }
0x143: {  	[tilespmem:s20], [sflag:$0x4] =	stream.indirect_vreg.gather [hbm4b:s5+s2], $0x80, v3, vm1, $0xb8;
	[tilespmem:$0x19C00] =	vst v63  }
0x144: {  	_ =	swait.ge [sflag:s21], $0x6000  }
0x145: {  	[sflag:s21] =	ssyncset.done $0x0  }
0x146: {  	s8 =	sadd.s32 s7, s11;
	[sflag:s21] =	ssyncadd.s32 $0xFFFFA000  }
0x147: {  	[hbm4b:s8+s24] =	stream.strided.scatter [tilespmem:s30], [sflag:$0x6], $0x6000, s25, s24, $0x38;
	[tilespmem:$0x19C00] =	vst v63  }
0x148: {  	_ =	swait.ge [sflag:s22], $0x6000  }
0x149: {  	[sflag:s22] =	ssyncset.done $0x0  }
0x14a: {  	[sflag:s22] =	ssyncadd.s32 $0xFFFFA000  }
0x14b: {  	v3 =	vld [tilespmem:s4+$0x80];
	_ =	sdelay $0x4  }
0x14c: {  	v60 =	vshrl.u32 v3, $0x3  }
0x14d: {  	v4 =	vmul.u32 $0x18, v60  }
0x14e: {  	v3 =	vand.u32 $0x7, v3  }
0x14f: {  	v3 =	vor.u32 v3, v4  }
0x150: {  	v4 =	vperm.xlane v3, v0;
	_ =	sdelay $0x1  }
0x151: {  	v4 =	vadd.s32 v1, v4;
	_ =	sdelay $0x1  }
0x152: {  	v3 =	vperm.xlane v3, v2;
	_ =	sdelay $0x1  }
0x153: {  	v3 =	vadd.s32 v1, v3  }
0x154: {  	[tilespmem:s13], [sflag:$0x1] =	stream.indirect_vreg.gather [hbm4b:s3+s2], $0x80, v4, vm0, $0xb8;
	[tilespmem:$0x19C00] =	vst v63  }
0x155: {  	s8 =	simm.s32 $0x2400  }
0x156: {  	[tilespmem:s8], [sflag:$0x1] =	stream.indirect_vreg.gather [hbm4b:s5+s2], $0x80, v4, vm1, $0xb8;
	[tilespmem:$0x19C00] =	vst v63  }
0x157: {  	s8 =	simm.s32 $0x2800  }
0x158: {  	[tilespmem:s8], [sflag:$0x1] =	stream.indirect_vreg.gather [hbm4b:s3+s2], $0x80, v3, vm0, $0xb8;
	[tilespmem:$0x19C00] =	vst v63  }
0x159: {  	s8 =	simm.s32 $0x3000  }
0x15a: {  	[tilespmem:s8], [sflag:$0x1] =	stream.indirect_vreg.gather [hbm4b:s5+s2], $0x80, v3, vm1, $0xb8;
	[tilespmem:$0x19C00] =	vst v63  }
0x15b: {  	v3 =	vld [tilespmem:s4+$0x90];
	_ =	sdelay $0x4  }
0x15c: {  	v61 =	vshrl.u32 v3, $0x3  }
0x15d: {  	v4 =	vmul.u32 $0x18, v61  }
0x15e: {  	v3 =	vand.u32 $0x7, v3  }
0x15f: {  	v3 =	vor.u32 v3, v4  }
0x160: {  	v4 =	vperm.xlane v3, v0;
	_ =	sdelay $0x1  }
0x161: {  	v4 =	vadd.s32 v1, v4;
	_ =	sdelay $0x1  }
0x162: {  	v3 =	vperm.xlane v3, v2;
	_ =	sdelay $0x1  }
0x163: {  	s8 =	simm.s32 $0x3400;
	v3 =	vadd.s32 v1, v3  }
0x164: {  	[tilespmem:s8], [sflag:$0x1] =	stream.indirect_vreg.gather [hbm4b:s3+s2], $0x80, v4, vm0, $0xb8;
	[tilespmem:$0x19C00] =	vst v63  }
0x165: {  	s8 =	simm.s32 $0x3C00  }
0x166: {  	[tilespmem:s8], [sflag:$0x1] =	stream.indirect_vreg.gather [hbm4b:s5+s2], $0x80, v4, vm1, $0xb8;
	[tilespmem:$0x19C00] =	vst v63  }
0x167: {  	s8 =	simm.s32 $0x4000  }
0x168: {  	[tilespmem:s8], [sflag:$0x1] =	stream.indirect_vreg.gather [hbm4b:s3+s2], $0x80, v3, vm0, $0xb8;
	[tilespmem:$0x19C00] =	vst v63  }
0x169: {  	s8 =	simm.s32 $0x4800  }
0x16a: {  	[tilespmem:s8], [sflag:$0x1] =	stream.indirect_vreg.gather [hbm4b:s5+s2], $0x80, v3, vm1, $0xb8;
	[tilespmem:$0x19C00] =	vst v63  }
0x16b: {  	v3 =	vld [tilespmem:s4+$0xA0];
	_ =	sdelay $0x4  }
0x16c: {  	v62 =	vshrl.u32 v3, $0x3  }
0x16d: {  	v4 =	vmul.u32 $0x18, v62  }
0x16e: {  	v3 =	vand.u32 $0x7, v3  }
0x16f: {  	v3 =	vor.u32 v3, v4  }
0x170: {  	v4 =	vperm.xlane v3, v0;
	_ =	sdelay $0x1  }
0x171: {  	v4 =	vadd.s32 v1, v4;
	_ =	sdelay $0x1  }
0x172: {  	v3 =	vperm.xlane v3, v2;
	_ =	sdelay $0x1  }
0x173: {  	s8 =	simm.s32 $0x4C00;
	v3 =	vadd.s32 v1, v3  }
0x174: {  	[tilespmem:s8], [sflag:$0x1] =	stream.indirect_vreg.gather [hbm4b:s3+s2], $0x80, v4, vm0, $0xb8;
	[tilespmem:$0x19C00] =	vst v63  }
0x175: {  	s8 =	simm.s32 $0x5400  }
0x176: {  	[tilespmem:s8], [sflag:$0x1] =	stream.indirect_vreg.gather [hbm4b:s5+s2], $0x80, v4, vm1, $0xb8;
	[tilespmem:$0x19C00] =	vst v63  }
0x177: {  	s8 =	simm.s32 $0x5800  }
0x178: {  	[tilespmem:s8], [sflag:$0x1] =	stream.indirect_vreg.gather [hbm4b:s3+s2], $0x80, v3, vm0, $0xb8;
	[tilespmem:$0x19C00] =	vst v63  }
0x179: {  	s8 =	simm.s32 $0x6000  }
0x17a: {  	[tilespmem:s8], [sflag:$0x1] =	stream.indirect_vreg.gather [hbm4b:s5+s2], $0x80, v3, vm1, $0xb8;
	[tilespmem:$0x19C00] =	vst v63  }
0x17b: {  	v3 =	vld [tilespmem:s4+$0xB0];
	_ =	sdelay $0x4  }
0x17c: {  	v63 =	vshrl.u32 v3, $0x3  }
0x17d: {  	v4 =	vmul.u32 $0x18, v63  }
0x17e: {  	v3 =	vand.u32 $0x7, v3  }
0x17f: {  	v3 =	vor.u32 v3, v4  }
0x180: {  	v4 =	vperm.xlane v3, v0;
	_ =	sdelay $0x1  }
0x181: {  	v4 =	vadd.s32 v1, v4;
	_ =	sdelay $0x1  }
0x182: {  	v3 =	vperm.xlane v3, v2;
	_ =	sdelay $0x1  }
0x183: {  	s8 =	simm.s32 $0x6400;
	v3 =	vadd.s32 v1, v3  }
0x184: {  	[tilespmem:s8], [sflag:$0x1] =	stream.indirect_vreg.gather [hbm4b:s3+s2], $0x80, v4, vm0, $0xb8;
	[tilespmem:$0x19C00] =	vst v63  }
0x185: {  	s8 =	simm.s32 $0x6C00  }
0x186: {  	[tilespmem:s8], [sflag:$0x1] =	stream.indirect_vreg.gather [hbm4b:s5+s2], $0x80, v4, vm1, $0xb8;
	[tilespmem:$0x19C00] =	vst v63  }
0x187: {  	s8 =	simm.s32 $0x7000  }
0x188: {  	[tilespmem:s8], [sflag:$0x1] =	stream.indirect_vreg.gather [hbm4b:s3+s2], $0x80, v3, vm0, $0xb8;
	[tilespmem:$0x19C00] =	vst v63  }
0x189: {  	s8 =	simm.s32 $0x7800  }
0x18a: {  	[tilespmem:s8], [sflag:$0x1] =	stream.indirect_vreg.gather [hbm4b:s5+s2], $0x80, v3, vm1, $0xb8;
	[tilespmem:$0x19C00] =	vst v63  }
0x18b: {  	_ =	swait.ge [sflag:s28], $0x6000  }
0x18c: {  	p0 =	seq.s32 s7, $0x4200;
	[sflag:s28] =	ssyncset.done $0x0  }
.Ltmp4:
0x18d: {  	s8 =	sadd.s32 s7, s9;
	[sflag:s28] =	ssyncadd.s32 $0xFFFFA000;
	(pc) =	sbr.rel @p0 .LBB2_4-.Ltmp4, $4  }
0x18e: {  	[hbm4b:s8+s24] =	stream.strided.scatter [tilespmem:s1], [sflag:$0x7], $0x6000, s25, s24, $0x38;
	[tilespmem:$0x19C00] =	vst v63  }
0x18f: {  	_ =	swait.ge [sflag:s29], $0x6000  }
0x190: {  	[sflag:s29] =	ssyncset.done $0x0  }
0x191: {  	[sflag:s29] =	ssyncadd.s32 $0xFFFFA000  }
0x192: {  	v3 =	vld [tilespmem:s4+$0x100];
	_ =	sdelay $0x4  }
0x193: {  	v4 =	vshrl.u32 v3, $0x3  }
0x194: {  	v4 =	vmul.u32 $0x18, v4  }
0x195: {  	v3 =	vand.u32 $0x7, v3  }
0x196: {  	v3 =	vor.u32 v3, v4  }
0x197: {  	v4 =	vperm.xlane v3, v0;
	_ =	sdelay $0x1  }
0x198: {  	v4 =	vadd.s32 v1, v4;
	_ =	sdelay $0x1  }
0x199: {  	v3 =	vperm.xlane v3, v2;
	_ =	sdelay $0x1  }
0x19a: {  	v3 =	vadd.s32 v1, v3  }
0x19b: {  	[tilespmem:s30], [sflag:$0x2] =	stream.indirect_vreg.gather [hbm4b:s3+s2], $0x80, v4, vm0, $0xb8;
	[tilespmem:$0x19C00] =	vst v63  }
0x19c: {  	s8 =	simm.s32 $0x8400  }
0x19d: {  	[tilespmem:s8], [sflag:$0x2] =	stream.indirect_vreg.gather [hbm4b:s5+s2], $0x80, v4, vm1, $0xb8;
	[tilespmem:$0x19C00] =	vst v63  }
0x19e: {  	s8 =	simm.s32 $0x8800  }
0x19f: {  	[tilespmem:s8], [sflag:$0x2] =	stream.indirect_vreg.gather [hbm4b:s3+s2], $0x80, v3, vm0, $0xb8;
	[tilespmem:$0x19C00] =	vst v63  }
0x1a0: {  	s8 =	simm.s32 $0x9000  }
0x1a1: {  	[tilespmem:s8], [sflag:$0x2] =	stream.indirect_vreg.gather [hbm4b:s5+s2], $0x80, v3, vm1, $0xb8;
	[tilespmem:$0x19C00] =	vst v63  }
0x1a2: {  	v3 =	vld [tilespmem:s4+$0x110];
	_ =	sdelay $0x4  }
0x1a3: {  	v61 =	vshrl.u32 v3, $0x3  }
0x1a4: {  	v4 =	vmul.u32 $0x18, v61  }
0x1a5: {  	v3 =	vand.u32 $0x7, v3  }
0x1a6: {  	v3 =	vor.u32 v3, v4  }
0x1a7: {  	v4 =	vperm.xlane v3, v0;
	_ =	sdelay $0x1  }
0x1a8: {  	v4 =	vadd.s32 v1, v4;
	_ =	sdelay $0x1  }
0x1a9: {  	v3 =	vperm.xlane v3, v2;
	_ =	sdelay $0x1  }
0x1aa: {  	s8 =	simm.s32 $0x9400;
	v3 =	vadd.s32 v1, v3  }
0x1ab: {  	[tilespmem:s8], [sflag:$0x2] =	stream.indirect_vreg.gather [hbm4b:s3+s2], $0x80, v4, vm0, $0xb8;
	[tilespmem:$0x19C00] =	vst v63  }
0x1ac: {  	s8 =	simm.s32 $0x9C00  }
0x1ad: {  	[tilespmem:s8], [sflag:$0x2] =	stream.indirect_vreg.gather [hbm4b:s5+s2], $0x80, v4, vm1, $0xb8;
	[tilespmem:$0x19C00] =	vst v63  }
0x1ae: {  	s8 =	simm.s32 $0xA000  }
0x1af: {  	[tilespmem:s8], [sflag:$0x2] =	stream.indirect_vreg.gather [hbm4b:s3+s2], $0x80, v3, vm0, $0xb8;
	[tilespmem:$0x19C00] =	vst v63  }
0x1b0: {  	s8 =	simm.s32 $0xA800  }
0x1b1: {  	[tilespmem:s8], [sflag:$0x2] =	stream.indirect_vreg.gather [hbm4b:s5+s2], $0x80, v3, vm1, $0xb8;
	[tilespmem:$0x19C00] =	vst v63  }
0x1b2: {  	v3 =	vld [tilespmem:s4+$0x120];
	_ =	sdelay $0x4  }
0x1b3: {  	v62 =	vshrl.u32 v3, $0x3  }
0x1b4: {  	v4 =	vmul.u32 $0x18, v62  }
0x1b5: {  	v3 =	vand.u32 $0x7, v3  }
0x1b6: {  	v3 =	vor.u32 v3, v4  }
0x1b7: {  	v4 =	vperm.xlane v3, v0;
	_ =	sdelay $0x1  }
0x1b8: {  	v4 =	vadd.s32 v1, v4;
	_ =	sdelay $0x1  }
0x1b9: {  	v3 =	vperm.xlane v3, v2;
	_ =	sdelay $0x1  }
0x1ba: {  	s8 =	simm.s32 $0xAC00;
	v3 =	vadd.s32 v1, v3  }
0x1bb: {  	[tilespmem:s8], [sflag:$0x2] =	stream.indirect_vreg.gather [hbm4b:s3+s2], $0x80, v4, vm0, $0xb8;
	[tilespmem:$0x19C00] =	vst v63  }
0x1bc: {  	s8 =	simm.s32 $0xB400  }
0x1bd: {  	[tilespmem:s8], [sflag:$0x2] =	stream.indirect_vreg.gather [hbm4b:s5+s2], $0x80, v4, vm1, $0xb8;
	[tilespmem:$0x19C00] =	vst v63  }
0x1be: {  	s8 =	simm.s32 $0xB800  }
0x1bf: {  	[tilespmem:s8], [sflag:$0x2] =	stream.indirect_vreg.gather [hbm4b:s3+s2], $0x80, v3, vm0, $0xb8;
	[tilespmem:$0x19C00] =	vst v63  }
0x1c0: {  	s8 =	simm.s32 $0xC000  }
0x1c1: {  	[tilespmem:s8], [sflag:$0x2] =	stream.indirect_vreg.gather [hbm4b:s5+s2], $0x80, v3, vm1, $0xb8;
	[tilespmem:$0x19C00] =	vst v63  }
0x1c2: {  	v3 =	vld [tilespmem:s4+$0x130];
	_ =	sdelay $0x4  }
0x1c3: {  	v63 =	vshrl.u32 v3, $0x3  }
0x1c4: {  	v4 =	vmul.u32 $0x18, v63  }
0x1c5: {  	v3 =	vand.u32 $0x7, v3  }
0x1c6: {  	v3 =	vor.u32 v3, v4  }
0x1c7: {  	v4 =	vperm.xlane v3, v0;
	_ =	sdelay $0x1  }
0x1c8: {  	v4 =	vadd.s32 v1, v4;
	_ =	sdelay $0x2  }
0x1c9: {  	v3 =	vperm.xlane v3, v2  }
0x1ca: {  	s8 =	simm.s32 $0xC400  }
0x1cb: {  	v3 =	vadd.s32 v1, v3;
	[tilespmem:s8], [sflag:$0x2] =	stream.indirect_vreg.gather [hbm4b:s3+s2], $0x80, v4, vm0, $0xb8;
	[tilespmem:$0x19C00] =	vst v63  }
0x1cc: {  	s8 =	simm.s32 $0xCC00  }
0x1cd: {  	[tilespmem:s8], [sflag:$0x2] =	stream.indirect_vreg.gather [hbm4b:s5+s2], $0x80, v4, vm1, $0xb8;
	[tilespmem:$0x19C00] =	vst v63  }
.Ltmp5:
0x1ce: {  	_ = 	snop;
	(pc) =	sbr.rel .LBB2_4-.Ltmp5, $4  }
0x1cf: {  	s8 =	simm.s32 $0xD000  }
0x1d0: {  	[tilespmem:s8], [sflag:$0x2] =	stream.indirect_vreg.gather [hbm4b:s3+s2], $0x80, v3, vm0, $0xb8;
	[tilespmem:$0x19C00] =	vst v63  }
0x1d1: {  	s8 =	simm.s32 $0xD800  }
0x1d2: {  	[tilespmem:s8], [sflag:$0x2] =	stream.indirect_vreg.gather [hbm4b:s5+s2], $0x80, v3, vm1, $0xb8;
	[tilespmem:$0x19C00] =	vst v63  }
.LBB2_6:
0x1d3: {  	_ =	sfence.sel $0x180000  }
0x1d4: {  	[bflag:$0x0] =	sbarrier.arrive $0xFFFF  }
0x1d5: {  	_ =	strace $0x90000047  }
0x1d6: {  	s0 =	stileid.u32;
	[bflag:$0x2] =	sbarrier.arrive $0xFFFF  }
0x1d7: {  	p0 =	sne.s32 s0, $0x0;
	s0 =	rddreg [dreg:$0x2]  }
0x1d8: {  	s0 =	sadd.s32 @!p0 $0x100000, s0  }
0x1d9: {  	[sflag:s0] =	ssyncadd.tile.s32 @!p0 $0x1;
	_ =	shalt  }
.Lfunc_end2:
_tile_overlayer_lowered:
.L_overlay_start_2:
0x1da: {  	(tag) =	ssettag $0x2  }
0x1db: {  	s0 =	rddreg [dreg:$0x0];
	s2 =	stileid.u32  }
0x1dc: {  	s1 =	rddreg [dreg:$0x1];
	p0 =	sne.s32 s2, $0x0  }
0x1dd: {  	s3 =	rddreg [dreg:$0x2];
	[bflag:$0x3] =	sbarrier.arrive $0xFFFF;
	s2 =	simm.s32 @!p0 $0x1C09  }
0x1de: {  	[timem:s3], [sflag:s2] =	dma.local @!p0 [hbm:s0], s1  }
0x1df: {  	s0 =	simm.s32 @!p0 $0x9  }
0x1e0: {  	_ =	swait.ge @!p0 [sflag:s0], s1  }
0x1e1: {  	s1 =	ssub.s32 @!p0 $0x0, s1;
	[sflag:s0] =	ssyncset.done @!p0 $0x0  }
0x1e2: {  	[sflag:s0] =	ssyncadd.s32 @!p0 s1  }
0x1e3: {  	[bflag:$0x3] =	sbarrier.arrive $0xFFFF  }
0x1e4: {  	_ =	shalt  }

</sc_bundles>
